<compile_context>
chip_gen: v7x
topology: tpu7x:2x2x1
jax: 0.10.2.dev20260603
libtpu: 0.0.44.dev20260713+nightly
codegen_flags: <defaults>
</compile_context>

<pallas_src>
import functools

import jax
import jax.numpy as jnp
from jax import lax
from jax.experimental import pallas as pl
from jax.experimental.pallas import tpu as pltpu
from jax.experimental.pallas import tpu_sc as plsc

N = 320000
D_IN = 128
D_HID = 256
S = 10000

PARTS = (160000, 160000)
RB = 16000
NC = 2
NS = 16
NW = NC * NS
K = 128
NBUF = 3
SEG_PER_TILE = 624
SEG_TAIL = S - NS * SEG_PER_TILE

PART_OFF = tuple(sum(PARTS[:i]) for i in range(len(PARTS)))
assert sum(PARTS) == N
for _p in PARTS:
    _rpw = _p // NW
    assert _p % NW == 0 and _rpw % 8 == 0 and _p % RB == 0
    assert (_rpw - (_rpw // K) * K) % 8 == 0


def _z_body(x_ref, w1t_ref, b1_ref, w2t_ref, z_ref):
    xb = x_ref[...].astype(jnp.bfloat16)
    h = jnp.dot(xb, w1t_ref[...], preferred_element_type=jnp.float32)
    phi = jnp.tanh(h + b1_ref[...])
    z_ref[...] = jnp.dot(phi.astype(jnp.bfloat16), w2t_ref[...],
                         preferred_element_type=jnp.float32)


def _compute_z(x, W1T, b1, W2T, part):
    npart = PARTS[part]
    nb0 = PART_OFF[part] // RB
    return pl.pallas_call(
        _z_body,
        grid=(npart // RB,),
        in_specs=[
            pl.BlockSpec((RB, D_IN), lambda i: (i + nb0, 0)),
            pl.BlockSpec((D_IN, D_HID), lambda i: (0, 0)),
            pl.BlockSpec((1, D_HID), lambda i: (0, 0)),
            pl.BlockSpec((D_HID, D_IN), lambda i: (0, 0)),
        ],
        out_specs=pl.BlockSpec((RB, D_IN), lambda i: (i, 0)),
        out_shape=jax.ShapeDtypeStruct((npart, D_IN), jnp.float32),
    )(x, W1T, b1.reshape(1, D_HID), W2T)


def _sc_scatter_body(part, z_hbm, b_hbm, out_hbm,
                     zb0, zb1, zb2, ib0, ib1, ib2, tbuf, acc,
                     zs0, zs1, zs2, is0, is1, is2):
    rpw = PARTS[part] // NW
    nk = rpw // K
    ktail = rpw - nk * K

    c = lax.axis_index("c")
    s = lax.axis_index("s")
    w = c * NS + s
    row_base = w * rpw
    id_base = PART_OFF[part] + w * rpw
    zbufs = (zb0, zb1, zb2)
    ibufs = (ib0, ib1, ib2)
    zsems = (zs0, zs1, zs2)
    isems = (is0, is1, is2)

    zv = jnp.zeros((16,), jnp.float32)

    def _zrow(r, carry):
        for cc in range(8):
            zb0[r, pl.ds(cc * 16, 16)] = zv
        return carry

    lax.fori_loop(0, K, _zrow, 0)
    zr0 = pl.multiple_of(s * SEG_PER_TILE, 8)
    for t in range(SEG_PER_TILE // K):
        pltpu.sync_copy(zb0, acc.at[pl.ds(zr0 + t * K, K)])
    _zrem = SEG_PER_TILE % K
    if _zrem:
        pltpu.sync_copy(zb0.at[pl.ds(0, _zrem)],
                        acc.at[pl.ds(zr0 + SEG_PER_TILE - _zrem, _zrem)])

    @pl.when(s == NS - 1)
    def _zero_tail():
        t0 = pl.multiple_of(NS * SEG_PER_TILE, 8)
        pltpu.sync_copy(zb0.at[pl.ds(0, SEG_TAIL)], acc.at[pl.ds(t0, SEG_TAIL)])

    plsc.subcore_barrier()

    def zsrc(l):
        return z_hbm.at[pl.ds(pl.multiple_of(row_base + l * K, 8), K)]

    def isrc(l):
        return b_hbm.at[pl.ds(pl.multiple_of(id_base + l * K, 8), K)]

    def wait_and_scatter(l, b):
        pltpu.make_async_copy(zsrc(l), zbufs[b], zsems[b]).wait()
        pltpu.make_async_copy(isrc(l), ibufs[b], isems[b]).wait()
        pltpu.sync_copy(zbufs[b], acc.at[ibufs[b]], add=True)

    for b in range(NBUF):
        pltpu.async_copy(zsrc(b), zbufs[b], zsems[b])
        pltpu.async_copy(isrc(b), ibufs[b], isems[b])

    def body(i, carry):
        for b in range(NBUF):
            l = i * NBUF + b
            wait_and_scatter(l, b)
            nl = l + NBUF

            @pl.when(nl < nk)
            def _next():
                pltpu.async_copy(zsrc(nl), zbufs[b], zsems[b])
                pltpu.async_copy(isrc(nl), ibufs[b], isems[b])

        return carry

    lax.fori_loop(0, nk // NBUF, body, 0)
    for l in range(nk - nk % NBUF, nk):
        wait_and_scatter(l, l % NBUF)

    if ktail:
        t0 = pl.multiple_of(row_base + nk * K, 8)
        ti0 = pl.multiple_of(id_base + nk * K, 8)
        pltpu.sync_copy(z_hbm.at[pl.ds(t0, ktail)], zb0.at[pl.ds(0, ktail)])
        pltpu.sync_copy(b_hbm.at[pl.ds(ti0, ktail)], tbuf.at[pl.ds(0, ktail)])
        pltpu.sync_copy(zb0.at[pl.ds(0, ktail)],
                        acc.at[tbuf.at[pl.ds(0, ktail)]], add=True)

    plsc.subcore_barrier()

    pltpu.sync_copy(acc.at[pl.ds(zr0, SEG_PER_TILE)],
                    out_hbm.at[c].at[pl.ds(zr0, SEG_PER_TILE)])

    @pl.when(s == NS - 1)
    def _write_tail():
        t0w = pl.multiple_of(NS * SEG_PER_TILE, 8)
        pltpu.sync_copy(acc.at[pl.ds(t0w, SEG_TAIL)],
                        out_hbm.at[c].at[pl.ds(t0w, SEG_TAIL)])


def _sc_scatter(z, bidx, part):
    mesh = plsc.VectorSubcoreMesh(
        core_axis_name="c", subcore_axis_name="s", num_cores=NC, num_subcores=NS
    )
    return pl.kernel(
        functools.partial(_sc_scatter_body, part),
        out_type=jax.ShapeDtypeStruct((NC, S, D_IN), jnp.float32),
        mesh=mesh,
        scratch_types=[
            pltpu.VMEM((K, D_IN), jnp.float32),
            pltpu.VMEM((K, D_IN), jnp.float32),
            pltpu.VMEM((K, D_IN), jnp.float32),
            pltpu.VMEM((K,), jnp.int32),
            pltpu.VMEM((K,), jnp.int32),
            pltpu.VMEM((K,), jnp.int32),
            pltpu.VMEM((K,), jnp.int32),
            pltpu.VMEM_SHARED((S, D_IN), jnp.float32),
            pltpu.SemaphoreType.DMA,
            pltpu.SemaphoreType.DMA,
            pltpu.SemaphoreType.DMA,
            pltpu.SemaphoreType.DMA,
            pltpu.SemaphoreType.DMA,
            pltpu.SemaphoreType.DMA,
        ],
    )(z, bidx)


def _combine1_body(p_ref, b2_ref, o_ref):
    o_ref[...] = p_ref[0] + p_ref[1] + b2_ref[...]


def _combine1(partial, b2):
    return pl.pallas_call(
        _combine1_body,
        grid=(10,),
        in_specs=[
            pl.BlockSpec((NC, S // 10, D_IN), lambda i: (0, i, 0)),
            pl.BlockSpec((1, D_IN), lambda i: (0, 0)),
        ],
        out_specs=pl.BlockSpec((S // 10, D_IN), lambda i: (i, 0)),
        out_shape=jax.ShapeDtypeStruct((S, D_IN), jnp.float32),
    )(partial, b2.reshape(1, D_IN))


def _combine2_body(h_ref, p_ref, o_ref):
    o_ref[...] = h_ref[...] + p_ref[0] + p_ref[1]


def _combine2(half, partial):
    return pl.pallas_call(
        _combine2_body,
        grid=(10,),
        in_specs=[
            pl.BlockSpec((S // 10, D_IN), lambda i: (i, 0)),
            pl.BlockSpec((NC, S // 10, D_IN), lambda i: (0, i, 0)),
        ],
        out_specs=pl.BlockSpec((S // 10, D_IN), lambda i: (i, 0)),
        out_shape=jax.ShapeDtypeStruct((S, D_IN), jnp.float32),
    )(half, partial)


def kernel(x, batch, W1, b1, W2, b2):
    bidx = batch.astype(jnp.int32)
    w1t = W1.T.astype(jnp.bfloat16)
    w2t = W2.T.astype(jnp.bfloat16)
    partials = []
    for part in range(len(PARTS)):
        z = _compute_z(x, w1t, b1, w2t, part)
        partials.append(_sc_scatter(z, bidx, part))
    half = _combine1(partials[0], b2)
    return _combine2(half, partials[1])

# --- scband reference (transcript-rebuilt; emitter-appended) ---
"""Pipeline reference for scband-deep-sets-46256797778106 (READ-ONLY COPY).

The authoritative reference and input builder live on the scoring server;
editing this copy changes nothing except your own understanding.
"""

import jax, jax.numpy as jnp
import numpy as np

HIDDEN = 128
NUM_SEGMENTS = 10000
N = 320000


def setup_inputs(seed: int = 0) -> dict:
    key = jax.random.key(seed)
    k_x, k_b, k_w1, k_b1, k_w2, k_b2 = jax.random.split(key, 6)
    x = jax.random.normal(k_x, (N, HIDDEN), dtype=jnp.float32)
    batch = jnp.sort(jax.random.randint(k_b, (N,), 0, NUM_SEGMENTS, dtype=jnp.int64))
    # Linear params (PyTorch convention: W [out, in], y = x @ W.T + b)
    lim1 = 1.0 / np.sqrt(HIDDEN)
    W1 = jax.random.uniform(k_w1, (2 * HIDDEN, HIDDEN), minval=-lim1, maxval=lim1, dtype=jnp.float32)
    b1 = jax.random.uniform(k_b1, (2 * HIDDEN,), minval=-lim1, maxval=lim1, dtype=jnp.float32)
    lim2 = 1.0 / np.sqrt(2 * HIDDEN)
    W2 = jax.random.uniform(k_w2, (HIDDEN, 2 * HIDDEN), minval=-lim2, maxval=lim2, dtype=jnp.float32)
    b2 = jax.random.uniform(k_b2, (HIDDEN,), minval=-lim2, maxval=lim2, dtype=jnp.float32)
    return {"x": x, "batch": batch, "W1": W1, "b1": b1, "W2": W2, "b2": b2}


def reference(x, batch, W1, b1, W2, b2):
    phi_x = jnp.tanh(x @ W1.T + b1)
    sum_x = jax.ops.segment_sum(phi_x, batch, num_segments=NUM_SEGMENTS)
    y = sum_x @ W2.T + b2
    return jnp.squeeze(y)

if __name__ == "__main__":
    import jax
    _d = setup_inputs()
    print(jax.jit(kernel)(*tuple(_d.values())))

</pallas_src>

<mosaic_0001>
#map = affine_map<(d0, d1) -> (0, 0)>
#map1 = affine_map<(d0, d1) -> (0)>
#map2 = affine_map<(d0, d1) -> (0, 0, 0)>
module attributes {stable_mosaic.version = 14 : i64} {
  func.func @_sc_scatter_body(%arg0: i32, %arg1: i32, %arg2: memref<160000x128xf32, #tpu.memory_space<hbm>>, %arg3: memref<320000xi32, #tpu.memory_space<hbm>>, %arg4: memref<2x10000x128xf32, #tpu.memory_space<hbm>>, %arg5: memref<128x128xf32, #tpu.memory_space<vmem>>, %arg6: memref<128x128xf32, #tpu.memory_space<vmem>>, %arg7: memref<128x128xf32, #tpu.memory_space<vmem>>, %arg8: memref<128xi32, #tpu.memory_space<vmem>>, %arg9: memref<128xi32, #tpu.memory_space<vmem>>, %arg10: memref<128xi32, #tpu.memory_space<vmem>>, %arg11: memref<128xi32, #tpu.memory_space<vmem>>, %arg12: memref<10000x128xf32, #tpu.memory_space<vmem_shared>>, %arg13: memref<!tpu.dma_semaphore, #tpu.memory_space<semaphore_mem>>, %arg14: memref<!tpu.dma_semaphore, #tpu.memory_space<semaphore_mem>>, %arg15: memref<!tpu.dma_semaphore, #tpu.memory_space<semaphore_mem>>, %arg16: memref<!tpu.dma_semaphore, #tpu.memory_space<semaphore_mem>>, %arg17: memref<!tpu.dma_semaphore, #tpu.memory_space<semaphore_mem>>, %arg18: memref<!tpu.dma_semaphore, #tpu.memory_space<semaphore_mem>>) attributes {dimension_semantics = [#tpu.dimension_semantics<core_parallel>, #tpu.dimension_semantics<subcore_parallel>], iteration_bounds = array<i64: 2, 16>, scalar_prefetch = 0 : i64, scratch_operands = 14 : i64, tpu.core_type = #tpu.core_type<sc_vector_subcore>, window_params = [{transform_indices = #map}, {transform_indices = #map1}, {transform_indices = #map2}]} {
    %mul3A = arith.constant 16 : i32
    %mul3A_0 = arith.muli %arg0, %mul3A : i32
    %add3A = arith.addi %mul3A_0, %arg1 : i32
    %mul3A_1 = arith.constant 5000 : i32
    %mul3A_2 = arith.muli %add3A, %mul3A_1 : i32
    %mul3A_3 = arith.constant 5000 : i32
    %mul3A_4 = arith.muli %add3A, %mul3A_3 : i32
    %add3A_5 = arith.constant 160000 : i32
    %add3A_6 = arith.addi %add3A_5, %mul3A_4 : i32
    %broadcast_in_dim3A = arith.constant 0.000000e+00 : f32
    %broadcast_in_dim3A_7 = vector.broadcast %broadcast_in_dim3A : f32 to vector<16xf32>
    %scan3A = arith.constant 0 : i32
    %scan3A_8 = arith.constant 0 : i32
    %scan3A_9 = arith.constant 128 : i32
    %scan3A_10 = arith.addi %scan3A_8, %scan3A_9 : i32
    %scan3A_11 = arith.constant 1 : i32
    scf.for %scan3A_81 = %scan3A_8 to %scan3A_10 step %scan3A_11  : i32 {
      %swap3A = arith.index_cast %scan3A_81 : i32 to index
      %swap3A_82 = arith.constant 0 : index
      %swap3A_83 = tpu.vector_load %arg5[%swap3A, %swap3A_82] {strides = array<i32>} : memref<128x128xf32, #tpu.memory_space<vmem>>, vector<1x16xf32>,
      %swap3A_84 = vector.shape_cast %swap3A_83 : vector<1x16xf32> to vector<16xf32>
      %swap3A_85 = vector.shape_cast %broadcast_in_dim3A_7 : vector<16xf32> to vector<1x16xf32>
      tpu.vector_store %arg5[%swap3A, %swap3A_82], %swap3A_85 {strides = array<i32>} : memref<128x128xf32, #tpu.memory_space<vmem>>, vector<1x16xf32>,
      %swap3A_86 = arith.index_cast %scan3A_81 : i32 to index
      %swap3A_87 = arith.constant 16 : index
      %swap3A_88 = tpu.vector_load %arg5[%swap3A_86, %swap3A_87] {strides = array<i32>} : memref<128x128xf32, #tpu.memory_space<vmem>>, vector<1x16xf32>,
      %swap3A_89 = vector.shape_cast %swap3A_88 : vector<1x16xf32> to vector<16xf32>
      %swap3A_90 = vector.shape_cast %broadcast_in_dim3A_7 : vector<16xf32> to vector<1x16xf32>
      tpu.vector_store %arg5[%swap3A_86, %swap3A_87], %swap3A_90 {strides = array<i32>} : memref<128x128xf32, #tpu.memory_space<vmem>>, vector<1x16xf32>,
      %swap3A_91 = arith.index_cast %scan3A_81 : i32 to index
      %swap3A_92 = arith.constant 32 : index
      %swap3A_93 = tpu.vector_load %arg5[%swap3A_91, %swap3A_92] {strides = array<i32>} : memref<128x128xf32, #tpu.memory_space<vmem>>, vector<1x16xf32>,
      %swap3A_94 = vector.shape_cast %swap3A_93 : vector<1x16xf32> to vector<16xf32>
      %swap3A_95 = vector.shape_cast %broadcast_in_dim3A_7 : vector<16xf32> to vector<1x16xf32>
      tpu.vector_store %arg5[%swap3A_91, %swap3A_92], %swap3A_95 {strides = array<i32>} : memref<128x128xf32, #tpu.memory_space<vmem>>, vector<1x16xf32>,
      %swap3A_96 = arith.index_cast %scan3A_81 : i32 to index
      %swap3A_97 = arith.constant 48 : index
      %swap3A_98 = tpu.vector_load %arg5[%swap3A_96, %swap3A_97] {strides = array<i32>} : memref<128x128xf32, #tpu.memory_space<vmem>>, vector<1x16xf32>,
      %swap3A_99 = vector.shape_cast %swap3A_98 : vector<1x16xf32> to vector<16xf32>
      %swap3A_100 = vector.shape_cast %broadcast_in_dim3A_7 : vector<16xf32> to vector<1x16xf32>
      tpu.vector_store %arg5[%swap3A_96, %swap3A_97], %swap3A_100 {strides = array<i32>} : memref<128x128xf32, #tpu.memory_space<vmem>>, vector<1x16xf32>,
      %swap3A_101 = arith.index_cast %scan3A_81 : i32 to index
      %swap3A_102 = arith.constant 64 : index
      %swap3A_103 = tpu.vector_load %arg5[%swap3A_101, %swap3A_102] {strides = array<i32>} : memref<128x128xf32, #tpu.memory_space<vmem>>, vector<1x16xf32>,
      %swap3A_104 = vector.shape_cast %swap3A_103 : vector<1x16xf32> to vector<16xf32>
      %swap3A_105 = vector.shape_cast %broadcast_in_dim3A_7 : vector<16xf32> to vector<1x16xf32>
      tpu.vector_store %arg5[%swap3A_101, %swap3A_102], %swap3A_105 {strides = array<i32>} : memref<128x128xf32, #tpu.memory_space<vmem>>, vector<1x16xf32>,
      %swap3A_106 = arith.index_cast %scan3A_81 : i32 to index
      %swap3A_107 = arith.constant 80 : index
      %swap3A_108 = tpu.vector_load %arg5[%swap3A_106, %swap3A_107] {strides = array<i32>} : memref<128x128xf32, #tpu.memory_space<vmem>>, vector<1x16xf32>,
      %swap3A_109 = vector.shape_cast %swap3A_108 : vector<1x16xf32> to vector<16xf32>
      %swap3A_110 = vector.shape_cast %broadcast_in_dim3A_7 : vector<16xf32> to vector<1x16xf32>
      tpu.vector_store %arg5[%swap3A_106, %swap3A_107], %swap3A_110 {strides = array<i32>} : memref<128x128xf32, #tpu.memory_space<vmem>>, vector<1x16xf32>,
      %swap3A_111 = arith.index_cast %scan3A_81 : i32 to index
      %swap3A_112 = arith.constant 96 : index
      %swap3A_113 = tpu.vector_load %arg5[%swap3A_111, %swap3A_112] {strides = array<i32>} : memref<128x128xf32, #tpu.memory_space<vmem>>, vector<1x16xf32>,
      %swap3A_114 = vector.shape_cast %swap3A_113 : vector<1x16xf32> to vector<16xf32>
      %swap3A_115 = vector.shape_cast %broadcast_in_dim3A_7 : vector<16xf32> to vector<1x16xf32>
      tpu.vector_store %arg5[%swap3A_111, %swap3A_112], %swap3A_115 {strides = array<i32>} : memref<128x128xf32, #tpu.memory_space<vmem>>, vector<1x16xf32>,
      %swap3A_116 = arith.index_cast %scan3A_81 : i32 to index
      %swap3A_117 = arith.constant 112 : index
      %swap3A_118 = tpu.vector_load %arg5[%swap3A_116, %swap3A_117] {strides = array<i32>} : memref<128x128xf32, #tpu.memory_space<vmem>>, vector<1x16xf32>,
      %swap3A_119 = vector.shape_cast %swap3A_118 : vector<1x16xf32> to vector<16xf32>
      %swap3A_120 = vector.shape_cast %broadcast_in_dim3A_7 : vector<16xf32> to vector<1x16xf32>
      tpu.vector_store %arg5[%swap3A_116, %swap3A_117], %swap3A_120 {strides = array<i32>} : memref<128x128xf32, #tpu.memory_space<vmem>>, vector<1x16xf32>,
    }
    %scan3A_12 = arith.constant 128 : i32
    %mul3A_13 = arith.constant 624 : i32
    %mul3A_14 = arith.muli %arg1, %mul3A_13 : i32
    %multiple_of3A = tpu.assume_multiple %mul3A_14, 8 : i32
    %add3A_15 = arith.constant 0 : i32
    %add3A_16 = arith.addi %multiple_of3A, %add3A_15 : i32
    "tpu.region"() ({
      %run_scoped3A = tpu.sem_alloc : memref<!tpu.dma_semaphore, #tpu.memory_space<semaphore_mem>>
      %dma_start3A_81 = arith.constant 0 : i32
      %dma_start3A_82 = tpu.memref_slice %arg12[%add3A_16, %dma_start3A_81] : memref<10000x128xf32, #tpu.memory_space<vmem_shared>> -> memref<128x128xf32, #tpu.memory_space<vmem_shared>>
      %dma_start3A_83 = arith.constant 0 : i32
      %dma_start3A_84 = tpu.memref_slice %arg12[%add3A_16, %dma_start3A_83] : memref<10000x128xf32, #tpu.memory_space<vmem_shared>> -> memref<128x128xf32, #tpu.memory_space<vmem_shared>>
      tpu.enqueue_dma source(%arg5 : memref<128x128xf32, #tpu.memory_space<vmem>>) target(%dma_start3A_84 : memref<128x128xf32, #tpu.memory_space<vmem_shared>>) target_semaphore(%run_scoped3A : memref<!tpu.dma_semaphore, #tpu.memory_space<semaphore_mem>>)
      %dma_wait3A = arith.constant 0 : i32
      %dma_wait3A_85 = tpu.memref_slice %arg12[%add3A_16, %dma_wait3A] : memref<10000x128xf32, #tpu.memory_space<vmem_shared>> -> memref<128x128xf32, #tpu.memory_space<vmem_shared>>
      %dma_wait3A_86 = arith.constant 0 : i32
      %dma_wait3A_87 = tpu.memref_slice %arg12[%add3A_16, %dma_wait3A_86] : memref<10000x128xf32, #tpu.memory_space<vmem_shared>> -> memref<128x128xf32, #tpu.memory_space<vmem_shared>>
      tpu.wait_dma2 semaphore(%run_scoped3A : memref<!tpu.dma_semaphore, #tpu.memory_space<semaphore_mem>>) src(%arg5 : memref<128x128xf32, #tpu.memory_space<vmem>>) dst(%dma_wait3A_87 : memref<128x128xf32, #tpu.memory_space<vmem_shared>>)
      tpu.yield
    }) : () -> ()
    %add3A_17 = arith.constant 128 : i32
    %add3A_18 = arith.addi %multiple_of3A, %add3A_17 : i32
    "tpu.region"() ({
      %run_scoped3A = tpu.sem_alloc : memref<!tpu.dma_semaphore, #tpu.memory_space<semaphore_mem>>
      %dma_start3A_81 = arith.constant 0 : i32
      %dma_start3A_82 = tpu.memref_slice %arg12[%add3A_18, %dma_start3A_81] : memref<10000x128xf32, #tpu.memory_space<vmem_shared>> -> memref<128x128xf32, #tpu.memory_space<vmem_shared>>
      %dma_start3A_83 = arith.constant 0 : i32
      %dma_start3A_84 = tpu.memref_slice %arg12[%add3A_18, %dma_start3A_83] : memref<10000x128xf32, #tpu.memory_space<vmem_shared>> -> memref<128x128xf32, #tpu.memory_space<vmem_shared>>
      tpu.enqueue_dma source(%arg5 : memref<128x128xf32, #tpu.memory_space<vmem>>) target(%dma_start3A_84 : memref<128x128xf32, #tpu.memory_space<vmem_shared>>) target_semaphore(%run_scoped3A : memref<!tpu.dma_semaphore, #tpu.memory_space<semaphore_mem>>)
      %dma_wait3A = arith.constant 0 : i32
      %dma_wait3A_85 = tpu.memref_slice %arg12[%add3A_18, %dma_wait3A] : memref<10000x128xf32, #tpu.memory_space<vmem_shared>> -> memref<128x128xf32, #tpu.memory_space<vmem_shared>>
      %dma_wait3A_86 = arith.constant 0 : i32
      %dma_wait3A_87 = tpu.memref_slice %arg12[%add3A_18, %dma_wait3A_86] : memref<10000x128xf32, #tpu.memory_space<vmem_shared>> -> memref<128x128xf32, #tpu.memory_space<vmem_shared>>
      tpu.wait_dma2 semaphore(%run_scoped3A : memref<!tpu.dma_semaphore, #tpu.memory_space<semaphore_mem>>) src(%arg5 : memref<128x128xf32, #tpu.memory_space<vmem>>) dst(%dma_wait3A_87 : memref<128x128xf32, #tpu.memory_space<vmem_shared>>)
      tpu.yield
    }) : () -> ()
    %add3A_19 = arith.constant 256 : i32
    %add3A_20 = arith.addi %multiple_of3A, %add3A_19 : i32
    "tpu.region"() ({
      %run_scoped3A = tpu.sem_alloc : memref<!tpu.dma_semaphore, #tpu.memory_space<semaphore_mem>>
      %dma_start3A_81 = arith.constant 0 : i32
      %dma_start3A_82 = tpu.memref_slice %arg12[%add3A_20, %dma_start3A_81] : memref<10000x128xf32, #tpu.memory_space<vmem_shared>> -> memref<128x128xf32, #tpu.memory_space<vmem_shared>>
      %dma_start3A_83 = arith.constant 0 : i32
      %dma_start3A_84 = tpu.memref_slice %arg12[%add3A_20, %dma_start3A_83] : memref<10000x128xf32, #tpu.memory_space<vmem_shared>> -> memref<128x128xf32, #tpu.memory_space<vmem_shared>>
      tpu.enqueue_dma source(%arg5 : memref<128x128xf32, #tpu.memory_space<vmem>>) target(%dma_start3A_84 : memref<128x128xf32, #tpu.memory_space<vmem_shared>>) target_semaphore(%run_scoped3A : memref<!tpu.dma_semaphore, #tpu.memory_space<semaphore_mem>>)
      %dma_wait3A = arith.constant 0 : i32
      %dma_wait3A_85 = tpu.memref_slice %arg12[%add3A_20, %dma_wait3A] : memref<10000x128xf32, #tpu.memory_space<vmem_shared>> -> memref<128x128xf32, #tpu.memory_space<vmem_shared>>
      %dma_wait3A_86 = arith.constant 0 : i32
      %dma_wait3A_87 = tpu.memref_slice %arg12[%add3A_20, %dma_wait3A_86] : memref<10000x128xf32, #tpu.memory_space<vmem_shared>> -> memref<128x128xf32, #tpu.memory_space<vmem_shared>>
      tpu.wait_dma2 semaphore(%run_scoped3A : memref<!tpu.dma_semaphore, #tpu.memory_space<semaphore_mem>>) src(%arg5 : memref<128x128xf32, #tpu.memory_space<vmem>>) dst(%dma_wait3A_87 : memref<128x128xf32, #tpu.memory_space<vmem_shared>>)
      tpu.yield
    }) : () -> ()
    %add3A_21 = arith.constant 384 : i32
    %add3A_22 = arith.addi %multiple_of3A, %add3A_21 : i32
    "tpu.region"() ({
      %run_scoped3A = tpu.sem_alloc : memref<!tpu.dma_semaphore, #tpu.memory_space<semaphore_mem>>
      %dma_start3A_81 = arith.constant 0 : i32
      %dma_start3A_82 = tpu.memref_slice %arg12[%add3A_22, %dma_start3A_81] : memref<10000x128xf32, #tpu.memory_space<vmem_shared>> -> memref<128x128xf32, #tpu.memory_space<vmem_shared>>
      %dma_start3A_83 = arith.constant 0 : i32
      %dma_start3A_84 = tpu.memref_slice %arg12[%add3A_22, %dma_start3A_83] : memref<10000x128xf32, #tpu.memory_space<vmem_shared>> -> memref<128x128xf32, #tpu.memory_space<vmem_shared>>
      tpu.enqueue_dma source(%arg5 : memref<128x128xf32, #tpu.memory_space<vmem>>) target(%dma_start3A_84 : memref<128x128xf32, #tpu.memory_space<vmem_shared>>) target_semaphore(%run_scoped3A : memref<!tpu.dma_semaphore, #tpu.memory_space<semaphore_mem>>)
      %dma_wait3A = arith.constant 0 : i32
      %dma_wait3A_85 = tpu.memref_slice %arg12[%add3A_22, %dma_wait3A] : memref<10000x128xf32, #tpu.memory_space<vmem_shared>> -> memref<128x128xf32, #tpu.memory_space<vmem_shared>>
      %dma_wait3A_86 = arith.constant 0 : i32
      %dma_wait3A_87 = tpu.memref_slice %arg12[%add3A_22, %dma_wait3A_86] : memref<10000x128xf32, #tpu.memory_space<vmem_shared>> -> memref<128x128xf32, #tpu.memory_space<vmem_shared>>
      tpu.wait_dma2 semaphore(%run_scoped3A : memref<!tpu.dma_semaphore, #tpu.memory_space<semaphore_mem>>) src(%arg5 : memref<128x128xf32, #tpu.memory_space<vmem>>) dst(%dma_wait3A_87 : memref<128x128xf32, #tpu.memory_space<vmem_shared>>)
      tpu.yield
    }) : () -> ()
    %add3A_23 = arith.constant 624 : i32
    %add3A_24 = arith.addi %multiple_of3A, %add3A_23 : i32
    %sub3A = arith.constant 112 : i32
    %sub3A_25 = arith.subi %add3A_24, %sub3A : i32
    "tpu.region"() ({
      %run_scoped3A = tpu.sem_alloc : memref<!tpu.dma_semaphore, #tpu.memory_space<semaphore_mem>>
      %dma_start3A_81 = arith.constant 0 : i32
      %dma_start3A_82 = arith.constant 0 : i32
      %dma_start3A_83 = tpu.memref_slice %arg5[%dma_start3A_81, %dma_start3A_82] : memref<128x128xf32, #tpu.memory_space<vmem>> -> memref<112x128xf32, #tpu.memory_space<vmem>>
      %dma_start3A_84 = arith.constant 0 : i32
      %dma_start3A_85 = tpu.memref_slice %arg12[%sub3A_25, %dma_start3A_84] : memref<10000x128xf32, #tpu.memory_space<vmem_shared>> -> memref<112x128xf32, #tpu.memory_space<vmem_shared>>
      %dma_start3A_86 = arith.constant 0 : i32
      %dma_start3A_87 = tpu.memref_slice %arg12[%sub3A_25, %dma_start3A_86] : memref<10000x128xf32, #tpu.memory_space<vmem_shared>> -> memref<112x128xf32, #tpu.memory_space<vmem_shared>>
      %dma_start3A_88 = arith.constant 0 : i32
      %dma_start3A_89 = arith.constant 0 : i32
      %dma_start3A_90 = tpu.memref_slice %arg5[%dma_start3A_88, %dma_start3A_89] : memref<128x128xf32, #tpu.memory_space<vmem>> -> memref<112x128xf32, #tpu.memory_space<vmem>>
      tpu.enqueue_dma source(%dma_start3A_90 : memref<112x128xf32, #tpu.memory_space<vmem>>) target(%dma_start3A_87 : memref<112x128xf32, #tpu.memory_space<vmem_shared>>) target_semaphore(%run_scoped3A : memref<!tpu.dma_semaphore, #tpu.memory_space<semaphore_mem>>)
      %dma_wait3A = arith.constant 0 : i32
      %dma_wait3A_91 = arith.constant 0 : i32
      %dma_wait3A_92 = tpu.memref_slice %arg5[%dma_wait3A, %dma_wait3A_91] : memref<128x128xf32, #tpu.memory_space<vmem>> -> memref<112x128xf32, #tpu.memory_space<vmem>>
      %dma_wait3A_93 = arith.constant 0 : i32
      %dma_wait3A_94 = tpu.memref_slice %arg12[%sub3A_25, %dma_wait3A_93] : memref<10000x128xf32, #tpu.memory_space<vmem_shared>> -> memref<112x128xf32, #tpu.memory_space<vmem_shared>>
      %dma_wait3A_95 = arith.constant 0 : i32
      %dma_wait3A_96 = tpu.memref_slice %arg12[%sub3A_25, %dma_wait3A_95] : memref<10000x128xf32, #tpu.memory_space<vmem_shared>> -> memref<112x128xf32, #tpu.memory_space<vmem_shared>>
      %dma_wait3A_97 = arith.constant 0 : i32
      %dma_wait3A_98 = arith.constant 0 : i32
      %dma_wait3A_99 = tpu.memref_slice %arg5[%dma_wait3A_97, %dma_wait3A_98] : memref<128x128xf32, #tpu.memory_space<vmem>> -> memref<112x128xf32, #tpu.memory_space<vmem>>
      tpu.wait_dma2 semaphore(%run_scoped3A : memref<!tpu.dma_semaphore, #tpu.memory_space<semaphore_mem>>) src(%dma_wait3A_99 : memref<112x128xf32, #tpu.memory_space<vmem>>) dst(%dma_wait3A_96 : memref<112x128xf32, #tpu.memory_space<vmem_shared>>)
      tpu.yield
    }) : () -> ()
    %eq3A = arith.constant 15 : i32
    %eq3A_26 = arith.cmpi eq, %arg1, %eq3A : i32
    %convert_element_type3A = arith.extui %eq3A_26 : i1 to i32
    %cond3A = arith.constant 0 : i32
    %cond3A_27 = arith.cmpi ne, %convert_element_type3A, %cond3A : i32
    scf.if %cond3A_27 {
      %multiple_of3A_81 = arith.constant 9984 : i32
      %multiple_of3A_82 = tpu.assume_multiple %multiple_of3A_81, 8 : i32
      "tpu.region"() ({
        %run_scoped3A = tpu.sem_alloc : memref<!tpu.dma_semaphore, #tpu.memory_space<semaphore_mem>>
        %dma_start3A_83 = arith.constant 0 : i32
        %dma_start3A_84 = arith.constant 0 : i32
        %dma_start3A_85 = tpu.memref_slice %arg5[%dma_start3A_83, %dma_start3A_84] : memref<128x128xf32, #tpu.memory_space<vmem>> -> memref<16x128xf32, #tpu.memory_space<vmem>>
        %dma_start3A_86 = arith.constant 0 : i32
        %dma_start3A_87 = tpu.memref_slice %arg12[%multiple_of3A_82, %dma_start3A_86] : memref<10000x128xf32, #tpu.memory_space<vmem_shared>> -> memref<16x128xf32, #tpu.memory_space<vmem_shared>>
        %dma_start3A_88 = arith.constant 0 : i32
        %dma_start3A_89 = tpu.memref_slice %arg12[%multiple_of3A_82, %dma_start3A_88] : memref<10000x128xf32, #tpu.memory_space<vmem_shared>> -> memref<16x128xf32, #tpu.memory_space<vmem_shared>>
        %dma_start3A_90 = arith.constant 0 : i32
        %dma_start3A_91 = arith.constant 0 : i32
        %dma_start3A_92 = tpu.memref_slice %arg5[%dma_start3A_90, %dma_start3A_91] : memref<128x128xf32, #tpu.memory_space<vmem>> -> memref<16x128xf32, #tpu.memory_space<vmem>>
        tpu.enqueue_dma source(%dma_start3A_92 : memref<16x128xf32, #tpu.memory_space<vmem>>) target(%dma_start3A_89 : memref<16x128xf32, #tpu.memory_space<vmem_shared>>) target_semaphore(%run_scoped3A : memref<!tpu.dma_semaphore, #tpu.memory_space<semaphore_mem>>)
        %dma_wait3A = arith.constant 0 : i32
        %dma_wait3A_93 = arith.constant 0 : i32
        %dma_wait3A_94 = tpu.memref_slice %arg5[%dma_wait3A, %dma_wait3A_93] : memref<128x128xf32, #tpu.memory_space<vmem>> -> memref<16x128xf32, #tpu.memory_space<vmem>>
        %dma_wait3A_95 = arith.constant 0 : i32
        %dma_wait3A_96 = tpu.memref_slice %arg12[%multiple_of3A_82, %dma_wait3A_95] : memref<10000x128xf32, #tpu.memory_space<vmem_shared>> -> memref<16x128xf32, #tpu.memory_space<vmem_shared>>
        %dma_wait3A_97 = arith.constant 0 : i32
        %dma_wait3A_98 = tpu.memref_slice %arg12[%multiple_of3A_82, %dma_wait3A_97] : memref<10000x128xf32, #tpu.memory_space<vmem_shared>> -> memref<16x128xf32, #tpu.memory_space<vmem_shared>>
        %dma_wait3A_99 = arith.constant 0 : i32
        %dma_wait3A_100 = arith.constant 0 : i32
        %dma_wait3A_101 = tpu.memref_slice %arg5[%dma_wait3A_99, %dma_wait3A_100] : memref<128x128xf32, #tpu.memory_space<vmem>> -> memref<16x128xf32, #tpu.memory_space<vmem>>
        tpu.wait_dma2 semaphore(%run_scoped3A : memref<!tpu.dma_semaphore, #tpu.memory_space<semaphore_mem>>) src(%dma_wait3A_101 : memref<16x128xf32, #tpu.memory_space<vmem>>) dst(%dma_wait3A_98 : memref<16x128xf32, #tpu.memory_space<vmem_shared>>)
        tpu.yield
      }) : () -> ()
    } else {
    }
    %barrier3A = arith.constant 0 : index
    tpu.barrier barrier_id(%barrier3A)
    %add3A_28 = arith.constant 0 : i32
    %add3A_29 = arith.addi %mul3A_2, %add3A_28 : i32
    %multiple_of3A_30 = tpu.assume_multiple %add3A_29, 8 : i32
    %dma_start3A = arith.constant 0 : i32
    %dma_start3A_31 = tpu.memref_slice %arg2[%multiple_of3A_30, %dma_start3A] : memref<160000x128xf32, #tpu.memory_space<hbm>> -> memref<128x128xf32, #tpu.memory_space<hbm>>
    %dma_start3A_32 = arith.constant 0 : i32
    %dma_start3A_33 = tpu.memref_slice %arg2[%multiple_of3A_30, %dma_start3A_32] : memref<160000x128xf32, #tpu.memory_space<hbm>> -> memref<128x128xf32, #tpu.memory_space<hbm>>
    tpu.enqueue_dma source(%dma_start3A_33 : memref<128x128xf32, #tpu.memory_space<hbm>>) target(%arg5 : memref<128x128xf32, #tpu.memory_space<vmem>>) target_semaphore(%arg13 : memref<!tpu.dma_semaphore, #tpu.memory_space<semaphore_mem>>)
    %add3A_34 = arith.constant 0 : i32
    %add3A_35 = arith.addi %add3A_6, %add3A_34 : i32
    %multiple_of3A_36 = tpu.assume_multiple %add3A_35, 8 : i32
    %dma_start3A_37 = tpu.memref_slice %arg3[%multiple_of3A_36] : memref<320000xi32, #tpu.memory_space<hbm>> -> memref<128xi32, #tpu.memory_space<hbm>>
    %dma_start3A_38 = tpu.memref_slice %arg3[%multiple_of3A_36] : memref<320000xi32, #tpu.memory_space<hbm>> -> memref<128xi32, #tpu.memory_space<hbm>>
    tpu.enqueue_dma source(%dma_start3A_38 : memref<128xi32, #tpu.memory_space<hbm>>) target(%arg8 : memref<128xi32, #tpu.memory_space<vmem>>) target_semaphore(%arg16 : memref<!tpu.dma_semaphore, #tpu.memory_space<semaphore_mem>>)
    %add3A_39 = arith.constant 128 : i32
    %add3A_40 = arith.addi %mul3A_2, %add3A_39 : i32
    %multiple_of3A_41 = tpu.assume_multiple %add3A_40, 8 : i32
    %dma_start3A_42 = arith.constant 0 : i32
    %dma_start3A_43 = tpu.memref_slice %arg2[%multiple_of3A_41, %dma_start3A_42] : memref<160000x128xf32, #tpu.memory_space<hbm>> -> memref<128x128xf32, #tpu.memory_space<hbm>>
    %dma_start3A_44 = arith.constant 0 : i32
    %dma_start3A_45 = tpu.memref_slice %arg2[%multiple_of3A_41, %dma_start3A_44] : memref<160000x128xf32, #tpu.memory_space<hbm>> -> memref<128x128xf32, #tpu.memory_space<hbm>>
    tpu.enqueue_dma source(%dma_start3A_45 : memref<128x128xf32, #tpu.memory_space<hbm>>) target(%arg6 : memref<128x128xf32, #tpu.memory_space<vmem>>) target_semaphore(%arg14 : memref<!tpu.dma_semaphore, #tpu.memory_space<semaphore_mem>>)
    %add3A_46 = arith.constant 128 : i32
    %add3A_47 = arith.addi %add3A_6, %add3A_46 : i32
    %multiple_of3A_48 = tpu.assume_multiple %add3A_47, 8 : i32
    %dma_start3A_49 = tpu.memref_slice %arg3[%multiple_of3A_48] : memref<320000xi32, #tpu.memory_space<hbm>> -> memref<128xi32, #tpu.memory_space<hbm>>
    %dma_start3A_50 = tpu.memref_slice %arg3[%multiple_of3A_48] : memref<320000xi32, #tpu.memory_space<hbm>> -> memref<128xi32, #tpu.memory_space<hbm>>
    tpu.enqueue_dma source(%dma_start3A_50 : memref<128xi32, #tpu.memory_space<hbm>>) target(%arg9 : memref<128xi32, #tpu.memory_space<vmem>>) target_semaphore(%arg17 : memref<!tpu.dma_semaphore, #tpu.memory_space<semaphore_mem>>)
    %add3A_51 = arith.constant 256 : i32
    %add3A_52 = arith.addi %mul3A_2, %add3A_51 : i32
    %multiple_of3A_53 = tpu.assume_multiple %add3A_52, 8 : i32
    %dma_start3A_54 = arith.constant 0 : i32
    %dma_start3A_55 = tpu.memref_slice %arg2[%multiple_of3A_53, %dma_start3A_54] : memref<160000x128xf32, #tpu.memory_space<hbm>> -> memref<128x128xf32, #tpu.memory_space<hbm>>
    %dma_start3A_56 = arith.constant 0 : i32
    %dma_start3A_57 = tpu.memref_slice %arg2[%multiple_of3A_53, %dma_start3A_56] : memref<160000x128xf32, #tpu.memory_space<hbm>> -> memref<128x128xf32, #tpu.memory_space<hbm>>
    tpu.enqueue_dma source(%dma_start3A_57 : memref<128x128xf32, #tpu.memory_space<hbm>>) target(%arg7 : memref<128x128xf32, #tpu.memory_space<vmem>>) target_semaphore(%arg15 : memref<!tpu.dma_semaphore, #tpu.memory_space<semaphore_mem>>)
    %add3A_58 = arith.constant 256 : i32
    %add3A_59 = arith.addi %add3A_6, %add3A_58 : i32
    %multiple_of3A_60 = tpu.assume_multiple %add3A_59, 8 : i32
    %dma_start3A_61 = tpu.memref_slice %arg3[%multiple_of3A_60] : memref<320000xi32, #tpu.memory_space<hbm>> -> memref<128xi32, #tpu.memory_space<hbm>>
    %dma_start3A_62 = tpu.memref_slice %arg3[%multiple_of3A_60] : memref<320000xi32, #tpu.memory_space<hbm>> -> memref<128xi32, #tpu.memory_space<hbm>>
    tpu.enqueue_dma source(%dma_start3A_62 : memref<128xi32, #tpu.memory_space<hbm>>) target(%arg10 : memref<128xi32, #tpu.memory_space<vmem>>) target_semaphore(%arg18 : memref<!tpu.dma_semaphore, #tpu.memory_space<semaphore_mem>>)
    %scan3A_63 = arith.constant 0 : i32
    %scan3A_64 = arith.constant 0 : i32
    %scan3A_65 = arith.constant 13 : i32
    %scan3A_66 = arith.addi %scan3A_64, %scan3A_65 : i32
    %scan3A_67 = arith.constant 1 : i32
    scf.for %scan3A_81 = %scan3A_64 to %scan3A_66 step %scan3A_67  : i32 {
      %mul3A_82 = arith.constant 3 : i32
      %mul3A_83 = arith.muli %scan3A_81, %mul3A_82 : i32
      %add3A_84 = arith.constant 0 : i32
      %add3A_85 = arith.addi %mul3A_83, %add3A_84 : i32
      %mul3A_86 = arith.constant 128 : i32
      %mul3A_87 = arith.muli %add3A_85, %mul3A_86 : i32
      %add3A_88 = arith.addi %mul3A_2, %mul3A_87 : i32
      %multiple_of3A_89 = tpu.assume_multiple %add3A_88, 8 : i32
      %dma_wait3A = arith.constant 0 : i32
      %dma_wait3A_90 = tpu.memref_slice %arg2[%multiple_of3A_89, %dma_wait3A] : memref<160000x128xf32, #tpu.memory_space<hbm>> -> memref<128x128xf32, #tpu.memory_space<hbm>>
      %dma_wait3A_91 = arith.constant 0 : i32
      %dma_wait3A_92 = tpu.memref_slice %arg2[%multiple_of3A_89, %dma_wait3A_91] : memref<160000x128xf32, #tpu.memory_space<hbm>> -> memref<128x128xf32, #tpu.memory_space<hbm>>
      tpu.wait_dma2 semaphore(%arg13 : memref<!tpu.dma_semaphore, #tpu.memory_space<semaphore_mem>>) src(%dma_wait3A_92 : memref<128x128xf32, #tpu.memory_space<hbm>>) dst(%arg5 : memref<128x128xf32, #tpu.memory_space<vmem>>)
      %mul3A_93 = arith.constant 128 : i32
      %mul3A_94 = arith.muli %add3A_85, %mul3A_93 : i32
      %add3A_95 = arith.addi %add3A_6, %mul3A_94 : i32
      %multiple_of3A_96 = tpu.assume_multiple %add3A_95, 8 : i32
      %dma_wait3A_97 = tpu.memref_slice %arg3[%multiple_of3A_96] : memref<320000xi32, #tpu.memory_space<hbm>> -> memref<128xi32, #tpu.memory_space<hbm>>
      %dma_wait3A_98 = tpu.memref_slice %arg3[%multiple_of3A_96] : memref<320000xi32, #tpu.memory_space<hbm>> -> memref<128xi32, #tpu.memory_space<hbm>>
      tpu.wait_dma2 semaphore(%arg16 : memref<!tpu.dma_semaphore, #tpu.memory_space<semaphore_mem>>) src(%dma_wait3A_98 : memref<128xi32, #tpu.memory_space<hbm>>) dst(%arg8 : memref<128xi32, #tpu.memory_space<vmem>>)
      "tpu.region"() ({
        %run_scoped3A = tpu.sem_alloc : memref<!tpu.dma_semaphore, #tpu.memory_space<semaphore_mem>>
        %dma_start3A_155 = arith.constant 0 : i32
        %dma_start3A_156 = arith.constant 0 : i32
        %dma_start3A_157 = tpu.memref_slice %arg12[%dma_start3A_155, %dma_start3A_156] : memref<10000x128xf32, #tpu.memory_space<vmem_shared>> -> memref<10000x128xf32, #tpu.memory_space<vmem_shared>>
        tpu.enqueue_indirect_dma source(%arg5 : memref<128x128xf32, #tpu.memory_space<vmem>>) target(%dma_start3A_157 : memref<10000x128xf32, #tpu.memory_space<vmem_shared>>) offsets(%arg8 : memref<128xi32, #tpu.memory_space<vmem>>) semaphore(%run_scoped3A : memref<!tpu.dma_semaphore, #tpu.memory_space<semaphore_mem>>) {add = true}
        %dma_wait3A_158 = arith.constant 0 : i32
        %dma_wait3A_159 = arith.constant 0 : i32
        %dma_wait3A_160 = tpu.memref_slice %arg12[%dma_wait3A_158, %dma_wait3A_159] : memref<10000x128xf32, #tpu.memory_space<vmem_shared>> -> memref<10000x128xf32, #tpu.memory_space<vmem_shared>>
        tpu.wait_indirect_dma semaphore(%run_scoped3A : memref<!tpu.dma_semaphore, #tpu.memory_space<semaphore_mem>>) src(%arg5 : memref<128x128xf32, #tpu.memory_space<vmem>>) dst(%dma_wait3A_160 : memref<10000x128xf32, #tpu.memory_space<vmem_shared>>)
        tpu.yield
      }) : () -> ()
      %add3A_99 = arith.constant 3 : i32
      %add3A_100 = arith.addi %add3A_85, %add3A_99 : i32
      %lt3A = arith.constant 39 : i32
      %lt3A_101 = arith.cmpi slt, %add3A_100, %lt3A : i32
      %convert_element_type3A_102 = arith.extui %lt3A_101 : i1 to i32
      %cond3A_103 = arith.constant 0 : i32
      %cond3A_104 = arith.cmpi ne, %convert_element_type3A_102, %cond3A_103 : i32
      scf.if %cond3A_104 {
        %mul3A_155 = arith.constant 128 : i32
        %mul3A_156 = arith.muli %add3A_100, %mul3A_155 : i32
        %add3A_157 = arith.addi %mul3A_2, %mul3A_156 : i32
        %multiple_of3A_158 = tpu.assume_multiple %add3A_157, 8 : i32
        %dma_start3A_159 = arith.constant 0 : i32
        %dma_start3A_160 = tpu.memref_slice %arg2[%multiple_of3A_158, %dma_start3A_159] : memref<160000x128xf32, #tpu.memory_space<hbm>> -> memref<128x128xf32, #tpu.memory_space<hbm>>
        %dma_start3A_161 = arith.constant 0 : i32
        %dma_start3A_162 = tpu.memref_slice %arg2[%multiple_of3A_158, %dma_start3A_161] : memref<160000x128xf32, #tpu.memory_space<hbm>> -> memref<128x128xf32, #tpu.memory_space<hbm>>
        tpu.enqueue_dma source(%dma_start3A_162 : memref<128x128xf32, #tpu.memory_space<hbm>>) target(%arg5 : memref<128x128xf32, #tpu.memory_space<vmem>>) target_semaphore(%arg13 : memref<!tpu.dma_semaphore, #tpu.memory_space<semaphore_mem>>)
        %mul3A_163 = arith.constant 128 : i32
        %mul3A_164 = arith.muli %add3A_100, %mul3A_163 : i32
        %add3A_165 = arith.addi %add3A_6, %mul3A_164 : i32
        %multiple_of3A_166 = tpu.assume_multiple %add3A_165, 8 : i32
        %dma_start3A_167 = tpu.memref_slice %arg3[%multiple_of3A_166] : memref<320000xi32, #tpu.memory_space<hbm>> -> memref<128xi32, #tpu.memory_space<hbm>>
        %dma_start3A_168 = tpu.memref_slice %arg3[%multiple_of3A_166] : memref<320000xi32, #tpu.memory_space<hbm>> -> memref<128xi32, #tpu.memory_space<hbm>>
        tpu.enqueue_dma source(%dma_start3A_168 : memref<128xi32, #tpu.memory_space<hbm>>) target(%arg8 : memref<128xi32, #tpu.memory_space<vmem>>) target_semaphore(%arg16 : memref<!tpu.dma_semaphore, #tpu.memory_space<semaphore_mem>>)
      } else {
      }
      %mul3A_105 = arith.constant 3 : i32
      %mul3A_106 = arith.muli %scan3A_81, %mul3A_105 : i32
      %add3A_107 = arith.constant 1 : i32
      %add3A_108 = arith.addi %mul3A_106, %add3A_107 : i32
      %mul3A_109 = arith.constant 128 : i32
      %mul3A_110 = arith.muli %add3A_108, %mul3A_109 : i32
      %add3A_111 = arith.addi %mul3A_2, %mul3A_110 : i32
      %multiple_of3A_112 = tpu.assume_multiple %add3A_111, 8 : i32
      %dma_wait3A_113 = arith.constant 0 : i32
      %dma_wait3A_114 = tpu.memref_slice %arg2[%multiple_of3A_112, %dma_wait3A_113] : memref<160000x128xf32, #tpu.memory_space<hbm>> -> memref<128x128xf32, #tpu.memory_space<hbm>>
      %dma_wait3A_115 = arith.constant 0 : i32
      %dma_wait3A_116 = tpu.memref_slice %arg2[%multiple_of3A_112, %dma_wait3A_115] : memref<160000x128xf32, #tpu.memory_space<hbm>> -> memref<128x128xf32, #tpu.memory_space<hbm>>
      tpu.wait_dma2 semaphore(%arg14 : memref<!tpu.dma_semaphore, #tpu.memory_space<semaphore_mem>>) src(%dma_wait3A_116 : memref<128x128xf32, #tpu.memory_space<hbm>>) dst(%arg6 : memref<128x128xf32, #tpu.memory_space<vmem>>)
      %mul3A_117 = arith.constant 128 : i32
      %mul3A_118 = arith.muli %add3A_108, %mul3A_117 : i32
      %add3A_119 = arith.addi %add3A_6, %mul3A_118 : i32
      %multiple_of3A_120 = tpu.assume_multiple %add3A_119, 8 : i32
      %dma_wait3A_121 = tpu.memref_slice %arg3[%multiple_of3A_120] : memref<320000xi32, #tpu.memory_space<hbm>> -> memref<128xi32, #tpu.memory_space<hbm>>
      %dma_wait3A_122 = tpu.memref_slice %arg3[%multiple_of3A_120] : memref<320000xi32, #tpu.memory_space<hbm>> -> memref<128xi32, #tpu.memory_space<hbm>>
      tpu.wait_dma2 semaphore(%arg17 : memref<!tpu.dma_semaphore, #tpu.memory_space<semaphore_mem>>) src(%dma_wait3A_122 : memref<128xi32, #tpu.memory_space<hbm>>) dst(%arg9 : memref<128xi32, #tpu.memory_space<vmem>>)
      "tpu.region"() ({
        %run_scoped3A = tpu.sem_alloc : memref<!tpu.dma_semaphore, #tpu.memory_space<semaphore_mem>>
        %dma_start3A_155 = arith.constant 0 : i32
        %dma_start3A_156 = arith.constant 0 : i32
        %dma_start3A_157 = tpu.memref_slice %arg12[%dma_start3A_155, %dma_start3A_156] : memref<10000x128xf32, #tpu.memory_space<vmem_shared>> -> memref<10000x128xf32, #tpu.memory_space<vmem_shared>>
        tpu.enqueue_indirect_dma source(%arg6 : memref<128x128xf32, #tpu.memory_space<vmem>>) target(%dma_start3A_157 : memref<10000x128xf32, #tpu.memory_space<vmem_shared>>) offsets(%arg9 : memref<128xi32, #tpu.memory_space<vmem>>) semaphore(%run_scoped3A : memref<!tpu.dma_semaphore, #tpu.memory_space<semaphore_mem>>) {add = true}
        %dma_wait3A_158 = arith.constant 0 : i32
        %dma_wait3A_159 = arith.constant 0 : i32
        %dma_wait3A_160 = tpu.memref_slice %arg12[%dma_wait3A_158, %dma_wait3A_159] : memref<10000x128xf32, #tpu.memory_space<vmem_shared>> -> memref<10000x128xf32, #tpu.memory_space<vmem_shared>>
        tpu.wait_indirect_dma semaphore(%run_scoped3A : memref<!tpu.dma_semaphore, #tpu.memory_space<semaphore_mem>>) src(%arg6 : memref<128x128xf32, #tpu.memory_space<vmem>>) dst(%dma_wait3A_160 : memref<10000x128xf32, #tpu.memory_space<vmem_shared>>)
        tpu.yield
      }) : () -> ()
      %add3A_123 = arith.constant 3 : i32
      %add3A_124 = arith.addi %add3A_108, %add3A_123 : i32
      %lt3A_125 = arith.constant 39 : i32
      %lt3A_126 = arith.cmpi slt, %add3A_124, %lt3A_125 : i32
      %convert_element_type3A_127 = arith.extui %lt3A_126 : i1 to i32
      %cond3A_128 = arith.constant 0 : i32
      %cond3A_129 = arith.cmpi ne, %convert_element_type3A_127, %cond3A_128 : i32
      scf.if %cond3A_129 {
        %mul3A_155 = arith.constant 128 : i32
        %mul3A_156 = arith.muli %add3A_124, %mul3A_155 : i32
        %add3A_157 = arith.addi %mul3A_2, %mul3A_156 : i32
        %multiple_of3A_158 = tpu.assume_multiple %add3A_157, 8 : i32
        %dma_start3A_159 = arith.constant 0 : i32
        %dma_start3A_160 = tpu.memref_slice %arg2[%multiple_of3A_158, %dma_start3A_159] : memref<160000x128xf32, #tpu.memory_space<hbm>> -> memref<128x128xf32, #tpu.memory_space<hbm>>
        %dma_start3A_161 = arith.constant 0 : i32
        %dma_start3A_162 = tpu.memref_slice %arg2[%multiple_of3A_158, %dma_start3A_161] : memref<160000x128xf32, #tpu.memory_space<hbm>> -> memref<128x128xf32, #tpu.memory_space<hbm>>
        tpu.enqueue_dma source(%dma_start3A_162 : memref<128x128xf32, #tpu.memory_space<hbm>>) target(%arg6 : memref<128x128xf32, #tpu.memory_space<vmem>>) target_semaphore(%arg14 : memref<!tpu.dma_semaphore, #tpu.memory_space<semaphore_mem>>)
        %mul3A_163 = arith.constant 128 : i32
        %mul3A_164 = arith.muli %add3A_124, %mul3A_163 : i32
        %add3A_165 = arith.addi %add3A_6, %mul3A_164 : i32
        %multiple_of3A_166 = tpu.assume_multiple %add3A_165, 8 : i32
        %dma_start3A_167 = tpu.memref_slice %arg3[%multiple_of3A_166] : memref<320000xi32, #tpu.memory_space<hbm>> -> memref<128xi32, #tpu.memory_space<hbm>>
        %dma_start3A_168 = tpu.memref_slice %arg3[%multiple_of3A_166] : memref<320000xi32, #tpu.memory_space<hbm>> -> memref<128xi32, #tpu.memory_space<hbm>>
        tpu.enqueue_dma source(%dma_start3A_168 : memref<128xi32, #tpu.memory_space<hbm>>) target(%arg9 : memref<128xi32, #tpu.memory_space<vmem>>) target_semaphore(%arg17 : memref<!tpu.dma_semaphore, #tpu.memory_space<semaphore_mem>>)
      } else {
      }
      %mul3A_130 = arith.constant 3 : i32
      %mul3A_131 = arith.muli %scan3A_81, %mul3A_130 : i32
      %add3A_132 = arith.constant 2 : i32
      %add3A_133 = arith.addi %mul3A_131, %add3A_132 : i32
      %mul3A_134 = arith.constant 128 : i32
      %mul3A_135 = arith.muli %add3A_133, %mul3A_134 : i32
      %add3A_136 = arith.addi %mul3A_2, %mul3A_135 : i32
      %multiple_of3A_137 = tpu.assume_multiple %add3A_136, 8 : i32
      %dma_wait3A_138 = arith.constant 0 : i32
      %dma_wait3A_139 = tpu.memref_slice %arg2[%multiple_of3A_137, %dma_wait3A_138] : memref<160000x128xf32, #tpu.memory_space<hbm>> -> memref<128x128xf32, #tpu.memory_space<hbm>>
      %dma_wait3A_140 = arith.constant 0 : i32
      %dma_wait3A_141 = tpu.memref_slice %arg2[%multiple_of3A_137, %dma_wait3A_140] : memref<160000x128xf32, #tpu.memory_space<hbm>> -> memref<128x128xf32, #tpu.memory_space<hbm>>
      tpu.wait_dma2 semaphore(%arg15 : memref<!tpu.dma_semaphore, #tpu.memory_space<semaphore_mem>>) src(%dma_wait3A_141 : memref<128x128xf32, #tpu.memory_space<hbm>>) dst(%arg7 : memref<128x128xf32, #tpu.memory_space<vmem>>)
      %mul3A_142 = arith.constant 128 : i32
      %mul3A_143 = arith.muli %add3A_133, %mul3A_142 : i32
      %add3A_144 = arith.addi %add3A_6, %mul3A_143 : i32
      %multiple_of3A_145 = tpu.assume_multiple %add3A_144, 8 : i32
      %dma_wait3A_146 = tpu.memref_slice %arg3[%multiple_of3A_145] : memref<320000xi32, #tpu.memory_space<hbm>> -> memref<128xi32, #tpu.memory_space<hbm>>
      %dma_wait3A_147 = tpu.memref_slice %arg3[%multiple_of3A_145] : memref<320000xi32, #tpu.memory_space<hbm>> -> memref<128xi32, #tpu.memory_space<hbm>>
      tpu.wait_dma2 semaphore(%arg18 : memref<!tpu.dma_semaphore, #tpu.memory_space<semaphore_mem>>) src(%dma_wait3A_147 : memref<128xi32, #tpu.memory_space<hbm>>) dst(%arg10 : memref<128xi32, #tpu.memory_space<vmem>>)
      "tpu.region"() ({
        %run_scoped3A = tpu.sem_alloc : memref<!tpu.dma_semaphore, #tpu.memory_space<semaphore_mem>>
        %dma_start3A_155 = arith.constant 0 : i32
        %dma_start3A_156 = arith.constant 0 : i32
        %dma_start3A_157 = tpu.memref_slice %arg12[%dma_start3A_155, %dma_start3A_156] : memref<10000x128xf32, #tpu.memory_space<vmem_shared>> -> memref<10000x128xf32, #tpu.memory_space<vmem_shared>>
        tpu.enqueue_indirect_dma source(%arg7 : memref<128x128xf32, #tpu.memory_space<vmem>>) target(%dma_start3A_157 : memref<10000x128xf32, #tpu.memory_space<vmem_shared>>) offsets(%arg10 : memref<128xi32, #tpu.memory_space<vmem>>) semaphore(%run_scoped3A : memref<!tpu.dma_semaphore, #tpu.memory_space<semaphore_mem>>) {add = true}
        %dma_wait3A_158 = arith.constant 0 : i32
        %dma_wait3A_159 = arith.constant 0 : i32
        %dma_wait3A_160 = tpu.memref_slice %arg12[%dma_wait3A_158, %dma_wait3A_159] : memref<10000x128xf32, #tpu.memory_space<vmem_shared>> -> memref<10000x128xf32, #tpu.memory_space<vmem_shared>>
        tpu.wait_indirect_dma semaphore(%run_scoped3A : memref<!tpu.dma_semaphore, #tpu.memory_space<semaphore_mem>>) src(%arg7 : memref<128x128xf32, #tpu.memory_space<vmem>>) dst(%dma_wait3A_160 : memref<10000x128xf32, #tpu.memory_space<vmem_shared>>)
        tpu.yield
      }) : () -> ()
      %add3A_148 = arith.constant 3 : i32
      %add3A_149 = arith.addi %add3A_133, %add3A_148 : i32
      %lt3A_150 = arith.constant 39 : i32
      %lt3A_151 = arith.cmpi slt, %add3A_149, %lt3A_150 : i32
      %convert_element_type3A_152 = arith.extui %lt3A_151 : i1 to i32
      %cond3A_153 = arith.constant 0 : i32
      %cond3A_154 = arith.cmpi ne, %convert_element_type3A_152, %cond3A_153 : i32
      scf.if %cond3A_154 {
        %mul3A_155 = arith.constant 128 : i32
        %mul3A_156 = arith.muli %add3A_149, %mul3A_155 : i32
        %add3A_157 = arith.addi %mul3A_2, %mul3A_156 : i32
        %multiple_of3A_158 = tpu.assume_multiple %add3A_157, 8 : i32
        %dma_start3A_159 = arith.constant 0 : i32
        %dma_start3A_160 = tpu.memref_slice %arg2[%multiple_of3A_158, %dma_start3A_159] : memref<160000x128xf32, #tpu.memory_space<hbm>> -> memref<128x128xf32, #tpu.memory_space<hbm>>
        %dma_start3A_161 = arith.constant 0 : i32
        %dma_start3A_162 = tpu.memref_slice %arg2[%multiple_of3A_158, %dma_start3A_161] : memref<160000x128xf32, #tpu.memory_space<hbm>> -> memref<128x128xf32, #tpu.memory_space<hbm>>
        tpu.enqueue_dma source(%dma_start3A_162 : memref<128x128xf32, #tpu.memory_space<hbm>>) target(%arg7 : memref<128x128xf32, #tpu.memory_space<vmem>>) target_semaphore(%arg15 : memref<!tpu.dma_semaphore, #tpu.memory_space<semaphore_mem>>)
        %mul3A_163 = arith.constant 128 : i32
        %mul3A_164 = arith.muli %add3A_149, %mul3A_163 : i32
        %add3A_165 = arith.addi %add3A_6, %mul3A_164 : i32
        %multiple_of3A_166 = tpu.assume_multiple %add3A_165, 8 : i32
        %dma_start3A_167 = tpu.memref_slice %arg3[%multiple_of3A_166] : memref<320000xi32, #tpu.memory_space<hbm>> -> memref<128xi32, #tpu.memory_space<hbm>>
        %dma_start3A_168 = tpu.memref_slice %arg3[%multiple_of3A_166] : memref<320000xi32, #tpu.memory_space<hbm>> -> memref<128xi32, #tpu.memory_space<hbm>>
        tpu.enqueue_dma source(%dma_start3A_168 : memref<128xi32, #tpu.memory_space<hbm>>) target(%arg10 : memref<128xi32, #tpu.memory_space<vmem>>) target_semaphore(%arg18 : memref<!tpu.dma_semaphore, #tpu.memory_space<semaphore_mem>>)
      } else {
      }
    }
    %scan3A_68 = arith.constant 13 : i32
    %add3A_69 = arith.constant 4992 : i32
    %add3A_70 = arith.addi %mul3A_2, %add3A_69 : i32
    %multiple_of3A_71 = tpu.assume_multiple %add3A_70, 8 : i32
    %add3A_72 = arith.constant 4992 : i32
    %add3A_73 = arith.addi %add3A_6, %add3A_72 : i32
    %multiple_of3A_74 = tpu.assume_multiple %add3A_73, 8 : i32
    "tpu.region"() ({
      %run_scoped3A = tpu.sem_alloc : memref<!tpu.dma_semaphore, #tpu.memory_space<semaphore_mem>>
      %dma_start3A_81 = arith.constant 0 : i32
      %dma_start3A_82 = arith.constant 0 : i32
      %dma_start3A_83 = tpu.memref_slice %arg5[%dma_start3A_81, %dma_start3A_82] : memref<128x128xf32, #tpu.memory_space<vmem>> -> memref<8x128xf32, #tpu.memory_space<vmem>>
      %dma_start3A_84 = arith.constant 0 : i32
      %dma_start3A_85 = tpu.memref_slice %arg2[%multiple_of3A_71, %dma_start3A_84] : memref<160000x128xf32, #tpu.memory_space<hbm>> -> memref<8x128xf32, #tpu.memory_space<hbm>>
      %dma_start3A_86 = arith.constant 0 : i32
      %dma_start3A_87 = arith.constant 0 : i32
      %dma_start3A_88 = tpu.memref_slice %arg5[%dma_start3A_86, %dma_start3A_87] : memref<128x128xf32, #tpu.memory_space<vmem>> -> memref<8x128xf32, #tpu.memory_space<vmem>>
      %dma_start3A_89 = arith.constant 0 : i32
      %dma_start3A_90 = tpu.memref_slice %arg2[%multiple_of3A_71, %dma_start3A_89] : memref<160000x128xf32, #tpu.memory_space<hbm>> -> memref<8x128xf32, #tpu.memory_space<hbm>>
      tpu.enqueue_dma source(%dma_start3A_90 : memref<8x128xf32, #tpu.memory_space<hbm>>) target(%dma_start3A_88 : memref<8x128xf32, #tpu.memory_space<vmem>>) target_semaphore(%run_scoped3A : memref<!tpu.dma_semaphore, #tpu.memory_space<semaphore_mem>>)
      %dma_wait3A = arith.constant 0 : i32
      %dma_wait3A_91 = arith.constant 0 : i32
      %dma_wait3A_92 = tpu.memref_slice %arg5[%dma_wait3A, %dma_wait3A_91] : memref<128x128xf32, #tpu.memory_space<vmem>> -> memref<8x128xf32, #tpu.memory_space<vmem>>
      %dma_wait3A_93 = arith.constant 0 : i32
      %dma_wait3A_94 = tpu.memref_slice %arg2[%multiple_of3A_71, %dma_wait3A_93] : memref<160000x128xf32, #tpu.memory_space<hbm>> -> memref<8x128xf32, #tpu.memory_space<hbm>>
      %dma_wait3A_95 = arith.constant 0 : i32
      %dma_wait3A_96 = arith.constant 0 : i32
      %dma_wait3A_97 = tpu.memref_slice %arg5[%dma_wait3A_95, %dma_wait3A_96] : memref<128x128xf32, #tpu.memory_space<vmem>> -> memref<8x128xf32, #tpu.memory_space<vmem>>
      %dma_wait3A_98 = arith.constant 0 : i32
      %dma_wait3A_99 = tpu.memref_slice %arg2[%multiple_of3A_71, %dma_wait3A_98] : memref<160000x128xf32, #tpu.memory_space<hbm>> -> memref<8x128xf32, #tpu.memory_space<hbm>>
      tpu.wait_dma2 semaphore(%run_scoped3A : memref<!tpu.dma_semaphore, #tpu.memory_space<semaphore_mem>>) src(%dma_wait3A_99 : memref<8x128xf32, #tpu.memory_space<hbm>>) dst(%dma_wait3A_97 : memref<8x128xf32, #tpu.memory_space<vmem>>)
      tpu.yield
    }) : () -> ()
    "tpu.region"() ({
      %run_scoped3A = tpu.sem_alloc : memref<!tpu.dma_semaphore, #tpu.memory_space<semaphore_mem>>
      %dma_start3A_81 = arith.constant 0 : i32
      %dma_start3A_82 = tpu.memref_slice %arg11[%dma_start3A_81] : memref<128xi32, #tpu.memory_space<vmem>> -> memref<8xi32, #tpu.memory_space<vmem>>
      %dma_start3A_83 = tpu.memref_slice %arg3[%multiple_of3A_74] : memref<320000xi32, #tpu.memory_space<hbm>> -> memref<8xi32, #tpu.memory_space<hbm>>
      %dma_start3A_84 = arith.constant 0 : i32
      %dma_start3A_85 = tpu.memref_slice %arg11[%dma_start3A_84] : memref<128xi32, #tpu.memory_space<vmem>> -> memref<8xi32, #tpu.memory_space<vmem>>
      %dma_start3A_86 = tpu.memref_slice %arg3[%multiple_of3A_74] : memref<320000xi32, #tpu.memory_space<hbm>> -> memref<8xi32, #tpu.memory_space<hbm>>
      tpu.enqueue_dma source(%dma_start3A_86 : memref<8xi32, #tpu.memory_space<hbm>>) target(%dma_start3A_85 : memref<8xi32, #tpu.memory_space<vmem>>) target_semaphore(%run_scoped3A : memref<!tpu.dma_semaphore, #tpu.memory_space<semaphore_mem>>)
      %dma_wait3A = arith.constant 0 : i32
      %dma_wait3A_87 = tpu.memref_slice %arg11[%dma_wait3A] : memref<128xi32, #tpu.memory_space<vmem>> -> memref<8xi32, #tpu.memory_space<vmem>>
      %dma_wait3A_88 = tpu.memref_slice %arg3[%multiple_of3A_74] : memref<320000xi32, #tpu.memory_space<hbm>> -> memref<8xi32, #tpu.memory_space<hbm>>
      %dma_wait3A_89 = arith.constant 0 : i32
      %dma_wait3A_90 = tpu.memref_slice %arg11[%dma_wait3A_89] : memref<128xi32, #tpu.memory_space<vmem>> -> memref<8xi32, #tpu.memory_space<vmem>>
      %dma_wait3A_91 = tpu.memref_slice %arg3[%multiple_of3A_74] : memref<320000xi32, #tpu.memory_space<hbm>> -> memref<8xi32, #tpu.memory_space<hbm>>
      tpu.wait_dma2 semaphore(%run_scoped3A : memref<!tpu.dma_semaphore, #tpu.memory_space<semaphore_mem>>) src(%dma_wait3A_91 : memref<8xi32, #tpu.memory_space<hbm>>) dst(%dma_wait3A_90 : memref<8xi32, #tpu.memory_space<vmem>>)
      tpu.yield
    }) : () -> ()
    "tpu.region"() ({
      %run_scoped3A = tpu.sem_alloc : memref<!tpu.dma_semaphore, #tpu.memory_space<semaphore_mem>>
      %dma_start3A_81 = arith.constant 0 : i32
      %dma_start3A_82 = arith.constant 0 : i32
      %dma_start3A_83 = tpu.memref_slice %arg5[%dma_start3A_81, %dma_start3A_82] : memref<128x128xf32, #tpu.memory_space<vmem>> -> memref<8x128xf32, #tpu.memory_space<vmem>>
      %dma_start3A_84 = arith.constant 0 : i32
      %dma_start3A_85 = tpu.memref_slice %arg11[%dma_start3A_84] : memref<128xi32, #tpu.memory_space<vmem>> -> memref<8xi32, #tpu.memory_space<vmem>>
      %dma_start3A_86 = arith.constant 0 : i32
      %dma_start3A_87 = arith.constant 0 : i32
      %dma_start3A_88 = tpu.memref_slice %arg12[%dma_start3A_86, %dma_start3A_87] : memref<10000x128xf32, #tpu.memory_space<vmem_shared>> -> memref<10000x128xf32, #tpu.memory_space<vmem_shared>>
      tpu.enqueue_indirect_dma source(%dma_start3A_83 : memref<8x128xf32, #tpu.memory_space<vmem>>) target(%dma_start3A_88 : memref<10000x128xf32, #tpu.memory_space<vmem_shared>>) offsets(%dma_start3A_85 : memref<8xi32, #tpu.memory_space<vmem>>) semaphore(%run_scoped3A : memref<!tpu.dma_semaphore, #tpu.memory_space<semaphore_mem>>) {add = true}
      %dma_wait3A = arith.constant 0 : i32
      %dma_wait3A_89 = arith.constant 0 : i32
      %dma_wait3A_90 = tpu.memref_slice %arg5[%dma_wait3A, %dma_wait3A_89] : memref<128x128xf32, #tpu.memory_space<vmem>> -> memref<8x128xf32, #tpu.memory_space<vmem>>
      %dma_wait3A_91 = arith.constant 0 : i32
      %dma_wait3A_92 = tpu.memref_slice %arg11[%dma_wait3A_91] : memref<128xi32, #tpu.memory_space<vmem>> -> memref<8xi32, #tpu.memory_space<vmem>>
      %dma_wait3A_93 = arith.constant 0 : i32
      %dma_wait3A_94 = arith.constant 0 : i32
      %dma_wait3A_95 = tpu.memref_slice %arg12[%dma_wait3A_93, %dma_wait3A_94] : memref<10000x128xf32, #tpu.memory_space<vmem_shared>> -> memref<10000x128xf32, #tpu.memory_space<vmem_shared>>
      tpu.wait_indirect_dma semaphore(%run_scoped3A : memref<!tpu.dma_semaphore, #tpu.memory_space<semaphore_mem>>) src(%dma_wait3A_90 : memref<8x128xf32, #tpu.memory_space<vmem>>) dst(%dma_wait3A_95 : memref<10000x128xf32, #tpu.memory_space<vmem_shared>>)
      tpu.yield
    }) : () -> ()
    %barrier3A_75 = arith.constant 0 : index
    tpu.barrier barrier_id(%barrier3A_75)
    "tpu.region"() ({
      %run_scoped3A = tpu.sem_alloc : memref<!tpu.dma_semaphore, #tpu.memory_space<semaphore_mem>>
      %dma_start3A_81 = arith.constant 0 : i32
      %dma_start3A_82 = arith.constant 0 : i32
      %dma_start3A_83 = tpu.memref_slice %arg4[%arg0, %dma_start3A_81, %dma_start3A_82] : memref<2x10000x128xf32, #tpu.memory_space<hbm>> -> memref<1x10000x128xf32, #tpu.memory_space<hbm>>
      %dma_start3A_84 = tpu.memref_squeeze %dma_start3A_83 : memref<1x10000x128xf32, #tpu.memory_space<hbm>> -> memref<10000x128xf32, #tpu.memory_space<hbm>>
      %dma_start3A_85 = arith.constant 0 : i32
      %dma_start3A_86 = tpu.memref_slice %dma_start3A_84[%multiple_of3A, %dma_start3A_85] : memref<10000x128xf32, #tpu.memory_space<hbm>> -> memref<624x128xf32, #tpu.memory_space<hbm>>
      %dma_start3A_87 = arith.constant 0 : i32
      %dma_start3A_88 = tpu.memref_slice %arg12[%multiple_of3A, %dma_start3A_87] : memref<10000x128xf32, #tpu.memory_space<vmem_shared>> -> memref<624x128xf32, #tpu.memory_space<vmem_shared>>
      tpu.enqueue_dma source(%dma_start3A_88 : memref<624x128xf32, #tpu.memory_space<vmem_shared>>) target(%dma_start3A_86 : memref<624x128xf32, #tpu.memory_space<hbm>>) target_semaphore(%run_scoped3A : memref<!tpu.dma_semaphore, #tpu.memory_space<semaphore_mem>>)
      %dma_wait3A = arith.constant 0 : i32
      %dma_wait3A_89 = arith.constant 0 : i32
      %dma_wait3A_90 = tpu.memref_slice %arg4[%arg0, %dma_wait3A, %dma_wait3A_89] : memref<2x10000x128xf32, #tpu.memory_space<hbm>> -> memref<1x10000x128xf32, #tpu.memory_space<hbm>>
      %dma_wait3A_91 = tpu.memref_squeeze %dma_wait3A_90 : memref<1x10000x128xf32, #tpu.memory_space<hbm>> -> memref<10000x128xf32, #tpu.memory_space<hbm>>
      %dma_wait3A_92 = arith.constant 0 : i32
      %dma_wait3A_93 = tpu.memref_slice %dma_wait3A_91[%multiple_of3A, %dma_wait3A_92] : memref<10000x128xf32, #tpu.memory_space<hbm>> -> memref<624x128xf32, #tpu.memory_space<hbm>>
      %dma_wait3A_94 = arith.constant 0 : i32
      %dma_wait3A_95 = tpu.memref_slice %arg12[%multiple_of3A, %dma_wait3A_94] : memref<10000x128xf32, #tpu.memory_space<vmem_shared>> -> memref<624x128xf32, #tpu.memory_space<vmem_shared>>
      tpu.wait_dma2 semaphore(%run_scoped3A : memref<!tpu.dma_semaphore, #tpu.memory_space<semaphore_mem>>) src(%dma_wait3A_95 : memref<624x128xf32, #tpu.memory_space<vmem_shared>>) dst(%dma_wait3A_93 : memref<624x128xf32, #tpu.memory_space<hbm>>)
      tpu.yield
    }) : () -> ()
    %eq3A_76 = arith.constant 15 : i32
    %eq3A_77 = arith.cmpi eq, %arg1, %eq3A_76 : i32
    %convert_element_type3A_78 = arith.extui %eq3A_77 : i1 to i32
    %cond3A_79 = arith.constant 0 : i32
    %cond3A_80 = arith.cmpi ne, %convert_element_type3A_78, %cond3A_79 : i32
    scf.if %cond3A_80 {
      %multiple_of3A_81 = arith.constant 9984 : i32
      %multiple_of3A_82 = tpu.assume_multiple %multiple_of3A_81, 8 : i32
      "tpu.region"() ({
        %run_scoped3A = tpu.sem_alloc : memref<!tpu.dma_semaphore, #tpu.memory_space<semaphore_mem>>
        %dma_start3A_83 = arith.constant 0 : i32
        %dma_start3A_84 = arith.constant 0 : i32
        %dma_start3A_85 = tpu.memref_slice %arg4[%arg0, %dma_start3A_83, %dma_start3A_84] : memref<2x10000x128xf32, #tpu.memory_space<hbm>> -> memref<1x10000x128xf32, #tpu.memory_space<hbm>>
        %dma_start3A_86 = tpu.memref_squeeze %dma_start3A_85 : memref<1x10000x128xf32, #tpu.memory_space<hbm>> -> memref<10000x128xf32, #tpu.memory_space<hbm>>
        %dma_start3A_87 = arith.constant 0 : i32
        %dma_start3A_88 = tpu.memref_slice %dma_start3A_86[%multiple_of3A_82, %dma_start3A_87] : memref<10000x128xf32, #tpu.memory_space<hbm>> -> memref<16x128xf32, #tpu.memory_space<hbm>>
        %dma_start3A_89 = arith.constant 0 : i32
        %dma_start3A_90 = tpu.memref_slice %arg12[%multiple_of3A_82, %dma_start3A_89] : memref<10000x128xf32, #tpu.memory_space<vmem_shared>> -> memref<16x128xf32, #tpu.memory_space<vmem_shared>>
        tpu.enqueue_dma source(%dma_start3A_90 : memref<16x128xf32, #tpu.memory_space<vmem_shared>>) target(%dma_start3A_88 : memref<16x128xf32, #tpu.memory_space<hbm>>) target_semaphore(%run_scoped3A : memref<!tpu.dma_semaphore, #tpu.memory_space<semaphore_mem>>)
        %dma_wait3A = arith.constant 0 : i32
        %dma_wait3A_91 = arith.constant 0 : i32
        %dma_wait3A_92 = tpu.memref_slice %arg4[%arg0, %dma_wait3A, %dma_wait3A_91] : memref<2x10000x128xf32, #tpu.memory_space<hbm>> -> memref<1x10000x128xf32, #tpu.memory_space<hbm>>
        %dma_wait3A_93 = tpu.memref_squeeze %dma_wait3A_92 : memref<1x10000x128xf32, #tpu.memory_space<hbm>> -> memref<10000x128xf32, #tpu.memory_space<hbm>>
        %dma_wait3A_94 = arith.constant 0 : i32
        %dma_wait3A_95 = tpu.memref_slice %dma_wait3A_93[%multiple_of3A_82, %dma_wait3A_94] : memref<10000x128xf32, #tpu.memory_space<hbm>> -> memref<16x128xf32, #tpu.memory_space<hbm>>
        %dma_wait3A_96 = arith.constant 0 : i32
        %dma_wait3A_97 = tpu.memref_slice %arg12[%multiple_of3A_82, %dma_wait3A_96] : memref<10000x128xf32, #tpu.memory_space<vmem_shared>> -> memref<16x128xf32, #tpu.memory_space<vmem_shared>>
        tpu.wait_dma2 semaphore(%run_scoped3A : memref<!tpu.dma_semaphore, #tpu.memory_space<semaphore_mem>>) src(%dma_wait3A_97 : memref<16x128xf32, #tpu.memory_space<vmem_shared>>) dst(%dma_wait3A_95 : memref<16x128xf32, #tpu.memory_space<hbm>>)
        tpu.yield
      }) : () -> ()
    } else {
    }
    return
  }
}

#map = affine_map<(d0, d1) -> (0, 0)>
#map1 = affine_map<(d0, d1) -> (0)>
#map2 = affine_map<(d0, d1) -> (0, 0, 0)>
module attributes {stable_mosaic.version = 14 : i64} {
  func.func @_sc_scatter_body(%arg0: i32, %arg1: i32, %arg2: memref<160000x128xf32, #tpu.memory_space<hbm>>, %arg3: memref<320000xi32, #tpu.memory_space<hbm>>, %arg4: memref<2x10000x128xf32, #tpu.memory_space<hbm>>, %arg5: memref<128x128xf32, #tpu.memory_space<vmem>>, %arg6: memref<128x128xf32, #tpu.memory_space<vmem>>, %arg7: memref<128x128xf32, #tpu.memory_space<vmem>>, %arg8: memref<128xi32, #tpu.memory_space<vmem>>, %arg9: memref<128xi32, #tpu.memory_space<vmem>>, %arg10: memref<128xi32, #tpu.memory_space<vmem>>, %arg11: memref<128xi32, #tpu.memory_space<vmem>>, %arg12: memref<10000x128xf32, #tpu.memory_space<vmem_shared>>, %arg13: memref<!tpu.dma_semaphore, #tpu.memory_space<semaphore_mem>>, %arg14: memref<!tpu.dma_semaphore, #tpu.memory_space<semaphore_mem>>, %arg15: memref<!tpu.dma_semaphore, #tpu.memory_space<semaphore_mem>>, %arg16: memref<!tpu.dma_semaphore, #tpu.memory_space<semaphore_mem>>, %arg17: memref<!tpu.dma_semaphore, #tpu.memory_space<semaphore_mem>>, %arg18: memref<!tpu.dma_semaphore, #tpu.memory_space<semaphore_mem>>) attributes {dimension_semantics = [#tpu.dimension_semantics<core_parallel>, #tpu.dimension_semantics<subcore_parallel>], iteration_bounds = array<i64: 2, 16>, scalar_prefetch = 0 : i64, scratch_operands = 14 : i64, tpu.core_type = #tpu.core_type<sc_vector_subcore>, window_params = [{transform_indices = #map}, {transform_indices = #map1}, {transform_indices = #map2}]} {
    %mul3A = arith.constant 16 : i32
    %mul3A_0 = arith.muli %arg0, %mul3A : i32
    %add3A = arith.addi %mul3A_0, %arg1 : i32
    %mul3A_1 = arith.constant 5000 : i32
    %mul3A_2 = arith.muli %add3A, %mul3A_1 : i32
    %mul3A_3 = arith.constant 5000 : i32
    %mul3A_4 = arith.muli %add3A, %mul3A_3 : i32
    %add3A_5 = arith.constant 0 : i32
    %add3A_6 = arith.addi %add3A_5, %mul3A_4 : i32
    %broadcast_in_dim3A = arith.constant 0.000000e+00 : f32
    %broadcast_in_dim3A_7 = vector.broadcast %broadcast_in_dim3A : f32 to vector<16xf32>
    %scan3A = arith.constant 0 : i32
    %scan3A_8 = arith.constant 0 : i32
    %scan3A_9 = arith.constant 128 : i32
    %scan3A_10 = arith.addi %scan3A_8, %scan3A_9 : i32
    %scan3A_11 = arith.constant 1 : i32
    scf.for %scan3A_81 = %scan3A_8 to %scan3A_10 step %scan3A_11  : i32 {
      %swap3A = arith.index_cast %scan3A_81 : i32 to index
      %swap3A_82 = arith.constant 0 : index
      %swap3A_83 = tpu.vector_load %arg5[%swap3A, %swap3A_82] {strides = array<i32>} : memref<128x128xf32, #tpu.memory_space<vmem>>, vector<1x16xf32>,
      %swap3A_84 = vector.shape_cast %swap3A_83 : vector<1x16xf32> to vector<16xf32>
      %swap3A_85 = vector.shape_cast %broadcast_in_dim3A_7 : vector<16xf32> to vector<1x16xf32>
      tpu.vector_store %arg5[%swap3A, %swap3A_82], %swap3A_85 {strides = array<i32>} : memref<128x128xf32, #tpu.memory_space<vmem>>, vector<1x16xf32>,
      %swap3A_86 = arith.index_cast %scan3A_81 : i32 to index
      %swap3A_87 = arith.constant 16 : index
      %swap3A_88 = tpu.vector_load %arg5[%swap3A_86, %swap3A_87] {strides = array<i32>} : memref<128x128xf32, #tpu.memory_space<vmem>>, vector<1x16xf32>,
      %swap3A_89 = vector.shape_cast %swap3A_88 : vector<1x16xf32> to vector<16xf32>
      %swap3A_90 = vector.shape_cast %broadcast_in_dim3A_7 : vector<16xf32> to vector<1x16xf32>
      tpu.vector_store %arg5[%swap3A_86, %swap3A_87], %swap3A_90 {strides = array<i32>} : memref<128x128xf32, #tpu.memory_space<vmem>>, vector<1x16xf32>,
      %swap3A_91 = arith.index_cast %scan3A_81 : i32 to index
      %swap3A_92 = arith.constant 32 : index
      %swap3A_93 = tpu.vector_load %arg5[%swap3A_91, %swap3A_92] {strides = array<i32>} : memref<128x128xf32, #tpu.memory_space<vmem>>, vector<1x16xf32>,
      %swap3A_94 = vector.shape_cast %swap3A_93 : vector<1x16xf32> to vector<16xf32>
      %swap3A_95 = vector.shape_cast %broadcast_in_dim3A_7 : vector<16xf32> to vector<1x16xf32>
      tpu.vector_store %arg5[%swap3A_91, %swap3A_92], %swap3A_95 {strides = array<i32>} : memref<128x128xf32, #tpu.memory_space<vmem>>, vector<1x16xf32>,
      %swap3A_96 = arith.index_cast %scan3A_81 : i32 to index
      %swap3A_97 = arith.constant 48 : index
      %swap3A_98 = tpu.vector_load %arg5[%swap3A_96, %swap3A_97] {strides = array<i32>} : memref<128x128xf32, #tpu.memory_space<vmem>>, vector<1x16xf32>,
      %swap3A_99 = vector.shape_cast %swap3A_98 : vector<1x16xf32> to vector<16xf32>
      %swap3A_100 = vector.shape_cast %broadcast_in_dim3A_7 : vector<16xf32> to vector<1x16xf32>
      tpu.vector_store %arg5[%swap3A_96, %swap3A_97], %swap3A_100 {strides = array<i32>} : memref<128x128xf32, #tpu.memory_space<vmem>>, vector<1x16xf32>,
      %swap3A_101 = arith.index_cast %scan3A_81 : i32 to index
      %swap3A_102 = arith.constant 64 : index
      %swap3A_103 = tpu.vector_load %arg5[%swap3A_101, %swap3A_102] {strides = array<i32>} : memref<128x128xf32, #tpu.memory_space<vmem>>, vector<1x16xf32>,
      %swap3A_104 = vector.shape_cast %swap3A_103 : vector<1x16xf32> to vector<16xf32>
      %swap3A_105 = vector.shape_cast %broadcast_in_dim3A_7 : vector<16xf32> to vector<1x16xf32>
      tpu.vector_store %arg5[%swap3A_101, %swap3A_102], %swap3A_105 {strides = array<i32>} : memref<128x128xf32, #tpu.memory_space<vmem>>, vector<1x16xf32>,
      %swap3A_106 = arith.index_cast %scan3A_81 : i32 to index
      %swap3A_107 = arith.constant 80 : index
      %swap3A_108 = tpu.vector_load %arg5[%swap3A_106, %swap3A_107] {strides = array<i32>} : memref<128x128xf32, #tpu.memory_space<vmem>>, vector<1x16xf32>,
      %swap3A_109 = vector.shape_cast %swap3A_108 : vector<1x16xf32> to vector<16xf32>
      %swap3A_110 = vector.shape_cast %broadcast_in_dim3A_7 : vector<16xf32> to vector<1x16xf32>
      tpu.vector_store %arg5[%swap3A_106, %swap3A_107], %swap3A_110 {strides = array<i32>} : memref<128x128xf32, #tpu.memory_space<vmem>>, vector<1x16xf32>,
      %swap3A_111 = arith.index_cast %scan3A_81 : i32 to index
      %swap3A_112 = arith.constant 96 : index
      %swap3A_113 = tpu.vector_load %arg5[%swap3A_111, %swap3A_112] {strides = array<i32>} : memref<128x128xf32, #tpu.memory_space<vmem>>, vector<1x16xf32>,
      %swap3A_114 = vector.shape_cast %swap3A_113 : vector<1x16xf32> to vector<16xf32>
      %swap3A_115 = vector.shape_cast %broadcast_in_dim3A_7 : vector<16xf32> to vector<1x16xf32>
      tpu.vector_store %arg5[%swap3A_111, %swap3A_112], %swap3A_115 {strides = array<i32>} : memref<128x128xf32, #tpu.memory_space<vmem>>, vector<1x16xf32>,
      %swap3A_116 = arith.index_cast %scan3A_81 : i32 to index
      %swap3A_117 = arith.constant 112 : index
      %swap3A_118 = tpu.vector_load %arg5[%swap3A_116, %swap3A_117] {strides = array<i32>} : memref<128x128xf32, #tpu.memory_space<vmem>>, vector<1x16xf32>,
      %swap3A_119 = vector.shape_cast %swap3A_118 : vector<1x16xf32> to vector<16xf32>
      %swap3A_120 = vector.shape_cast %broadcast_in_dim3A_7 : vector<16xf32> to vector<1x16xf32>
      tpu.vector_store %arg5[%swap3A_116, %swap3A_117], %swap3A_120 {strides = array<i32>} : memref<128x128xf32, #tpu.memory_space<vmem>>, vector<1x16xf32>,
    }
    %scan3A_12 = arith.constant 128 : i32
    %mul3A_13 = arith.constant 624 : i32
    %mul3A_14 = arith.muli %arg1, %mul3A_13 : i32
    %multiple_of3A = tpu.assume_multiple %mul3A_14, 8 : i32
    %add3A_15 = arith.constant 0 : i32
    %add3A_16 = arith.addi %multiple_of3A, %add3A_15 : i32
    "tpu.region"() ({
      %run_scoped3A = tpu.sem_alloc : memref<!tpu.dma_semaphore, #tpu.memory_space<semaphore_mem>>
      %dma_start3A_81 = arith.constant 0 : i32
      %dma_start3A_82 = tpu.memref_slice %arg12[%add3A_16, %dma_start3A_81] : memref<10000x128xf32, #tpu.memory_space<vmem_shared>> -> memref<128x128xf32, #tpu.memory_space<vmem_shared>>
      %dma_start3A_83 = arith.constant 0 : i32
      %dma_start3A_84 = tpu.memref_slice %arg12[%add3A_16, %dma_start3A_83] : memref<10000x128xf32, #tpu.memory_space<vmem_shared>> -> memref<128x128xf32, #tpu.memory_space<vmem_shared>>
      tpu.enqueue_dma source(%arg5 : memref<128x128xf32, #tpu.memory_space<vmem>>) target(%dma_start3A_84 : memref<128x128xf32, #tpu.memory_space<vmem_shared>>) target_semaphore(%run_scoped3A : memref<!tpu.dma_semaphore, #tpu.memory_space<semaphore_mem>>)
      %dma_wait3A = arith.constant 0 : i32
      %dma_wait3A_85 = tpu.memref_slice %arg12[%add3A_16, %dma_wait3A] : memref<10000x128xf32, #tpu.memory_space<vmem_shared>> -> memref<128x128xf32, #tpu.memory_space<vmem_shared>>
      %dma_wait3A_86 = arith.constant 0 : i32
      %dma_wait3A_87 = tpu.memref_slice %arg12[%add3A_16, %dma_wait3A_86] : memref<10000x128xf32, #tpu.memory_space<vmem_shared>> -> memref<128x128xf32, #tpu.memory_space<vmem_shared>>
      tpu.wait_dma2 semaphore(%run_scoped3A : memref<!tpu.dma_semaphore, #tpu.memory_space<semaphore_mem>>) src(%arg5 : memref<128x128xf32, #tpu.memory_space<vmem>>) dst(%dma_wait3A_87 : memref<128x128xf32, #tpu.memory_space<vmem_shared>>)
      tpu.yield
    }) : () -> ()
    %add3A_17 = arith.constant 128 : i32
    %add3A_18 = arith.addi %multiple_of3A, %add3A_17 : i32
    "tpu.region"() ({
      %run_scoped3A = tpu.sem_alloc : memref<!tpu.dma_semaphore, #tpu.memory_space<semaphore_mem>>
      %dma_start3A_81 = arith.constant 0 : i32
      %dma_start3A_82 = tpu.memref_slice %arg12[%add3A_18, %dma_start3A_81] : memref<10000x128xf32, #tpu.memory_space<vmem_shared>> -> memref<128x128xf32, #tpu.memory_space<vmem_shared>>
      %dma_start3A_83 = arith.constant 0 : i32
      %dma_start3A_84 = tpu.memref_slice %arg12[%add3A_18, %dma_start3A_83] : memref<10000x128xf32, #tpu.memory_space<vmem_shared>> -> memref<128x128xf32, #tpu.memory_space<vmem_shared>>
      tpu.enqueue_dma source(%arg5 : memref<128x128xf32, #tpu.memory_space<vmem>>) target(%dma_start3A_84 : memref<128x128xf32, #tpu.memory_space<vmem_shared>>) target_semaphore(%run_scoped3A : memref<!tpu.dma_semaphore, #tpu.memory_space<semaphore_mem>>)
      %dma_wait3A = arith.constant 0 : i32
      %dma_wait3A_85 = tpu.memref_slice %arg12[%add3A_18, %dma_wait3A] : memref<10000x128xf32, #tpu.memory_space<vmem_shared>> -> memref<128x128xf32, #tpu.memory_space<vmem_shared>>
      %dma_wait3A_86 = arith.constant 0 : i32
      %dma_wait3A_87 = tpu.memref_slice %arg12[%add3A_18, %dma_wait3A_86] : memref<10000x128xf32, #tpu.memory_space<vmem_shared>> -> memref<128x128xf32, #tpu.memory_space<vmem_shared>>
      tpu.wait_dma2 semaphore(%run_scoped3A : memref<!tpu.dma_semaphore, #tpu.memory_space<semaphore_mem>>) src(%arg5 : memref<128x128xf32, #tpu.memory_space<vmem>>) dst(%dma_wait3A_87 : memref<128x128xf32, #tpu.memory_space<vmem_shared>>)
      tpu.yield
    }) : () -> ()
    %add3A_19 = arith.constant 256 : i32
    %add3A_20 = arith.addi %multiple_of3A, %add3A_19 : i32
    "tpu.region"() ({
      %run_scoped3A = tpu.sem_alloc : memref<!tpu.dma_semaphore, #tpu.memory_space<semaphore_mem>>
      %dma_start3A_81 = arith.constant 0 : i32
      %dma_start3A_82 = tpu.memref_slice %arg12[%add3A_20, %dma_start3A_81] : memref<10000x128xf32, #tpu.memory_space<vmem_shared>> -> memref<128x128xf32, #tpu.memory_space<vmem_shared>>
      %dma_start3A_83 = arith.constant 0 : i32
      %dma_start3A_84 = tpu.memref_slice %arg12[%add3A_20, %dma_start3A_83] : memref<10000x128xf32, #tpu.memory_space<vmem_shared>> -> memref<128x128xf32, #tpu.memory_space<vmem_shared>>
      tpu.enqueue_dma source(%arg5 : memref<128x128xf32, #tpu.memory_space<vmem>>) target(%dma_start3A_84 : memref<128x128xf32, #tpu.memory_space<vmem_shared>>) target_semaphore(%run_scoped3A : memref<!tpu.dma_semaphore, #tpu.memory_space<semaphore_mem>>)
      %dma_wait3A = arith.constant 0 : i32
      %dma_wait3A_85 = tpu.memref_slice %arg12[%add3A_20, %dma_wait3A] : memref<10000x128xf32, #tpu.memory_space<vmem_shared>> -> memref<128x128xf32, #tpu.memory_space<vmem_shared>>
      %dma_wait3A_86 = arith.constant 0 : i32
      %dma_wait3A_87 = tpu.memref_slice %arg12[%add3A_20, %dma_wait3A_86] : memref<10000x128xf32, #tpu.memory_space<vmem_shared>> -> memref<128x128xf32, #tpu.memory_space<vmem_shared>>
      tpu.wait_dma2 semaphore(%run_scoped3A : memref<!tpu.dma_semaphore, #tpu.memory_space<semaphore_mem>>) src(%arg5 : memref<128x128xf32, #tpu.memory_space<vmem>>) dst(%dma_wait3A_87 : memref<128x128xf32, #tpu.memory_space<vmem_shared>>)
      tpu.yield
    }) : () -> ()
    %add3A_21 = arith.constant 384 : i32
    %add3A_22 = arith.addi %multiple_of3A, %add3A_21 : i32
    "tpu.region"() ({
      %run_scoped3A = tpu.sem_alloc : memref<!tpu.dma_semaphore, #tpu.memory_space<semaphore_mem>>
      %dma_start3A_81 = arith.constant 0 : i32
      %dma_start3A_82 = tpu.memref_slice %arg12[%add3A_22, %dma_start3A_81] : memref<10000x128xf32, #tpu.memory_space<vmem_shared>> -> memref<128x128xf32, #tpu.memory_space<vmem_shared>>
      %dma_start3A_83 = arith.constant 0 : i32
      %dma_start3A_84 = tpu.memref_slice %arg12[%add3A_22, %dma_start3A_83] : memref<10000x128xf32, #tpu.memory_space<vmem_shared>> -> memref<128x128xf32, #tpu.memory_space<vmem_shared>>
      tpu.enqueue_dma source(%arg5 : memref<128x128xf32, #tpu.memory_space<vmem>>) target(%dma_start3A_84 : memref<128x128xf32, #tpu.memory_space<vmem_shared>>) target_semaphore(%run_scoped3A : memref<!tpu.dma_semaphore, #tpu.memory_space<semaphore_mem>>)
      %dma_wait3A = arith.constant 0 : i32
      %dma_wait3A_85 = tpu.memref_slice %arg12[%add3A_22, %dma_wait3A] : memref<10000x128xf32, #tpu.memory_space<vmem_shared>> -> memref<128x128xf32, #tpu.memory_space<vmem_shared>>
      %dma_wait3A_86 = arith.constant 0 : i32
      %dma_wait3A_87 = tpu.memref_slice %arg12[%add3A_22, %dma_wait3A_86] : memref<10000x128xf32, #tpu.memory_space<vmem_shared>> -> memref<128x128xf32, #tpu.memory_space<vmem_shared>>
      tpu.wait_dma2 semaphore(%run_scoped3A : memref<!tpu.dma_semaphore, #tpu.memory_space<semaphore_mem>>) src(%arg5 : memref<128x128xf32, #tpu.memory_space<vmem>>) dst(%dma_wait3A_87 : memref<128x128xf32, #tpu.memory_space<vmem_shared>>)
      tpu.yield
    }) : () -> ()
    %add3A_23 = arith.constant 624 : i32
    %add3A_24 = arith.addi %multiple_of3A, %add3A_23 : i32
    %sub3A = arith.constant 112 : i32
    %sub3A_25 = arith.subi %add3A_24, %sub3A : i32
    "tpu.region"() ({
      %run_scoped3A = tpu.sem_alloc : memref<!tpu.dma_semaphore, #tpu.memory_space<semaphore_mem>>
      %dma_start3A_81 = arith.constant 0 : i32
      %dma_start3A_82 = arith.constant 0 : i32
      %dma_start3A_83 = tpu.memref_slice %arg5[%dma_start3A_81, %dma_start3A_82] : memref<128x128xf32, #tpu.memory_space<vmem>> -> memref<112x128xf32, #tpu.memory_space<vmem>>
      %dma_start3A_84 = arith.constant 0 : i32
      %dma_start3A_85 = tpu.memref_slice %arg12[%sub3A_25, %dma_start3A_84] : memref<10000x128xf32, #tpu.memory_space<vmem_shared>> -> memref<112x128xf32, #tpu.memory_space<vmem_shared>>
      %dma_start3A_86 = arith.constant 0 : i32
      %dma_start3A_87 = tpu.memref_slice %arg12[%sub3A_25, %dma_start3A_86] : memref<10000x128xf32, #tpu.memory_space<vmem_shared>> -> memref<112x128xf32, #tpu.memory_space<vmem_shared>>
      %dma_start3A_88 = arith.constant 0 : i32
      %dma_start3A_89 = arith.constant 0 : i32
      %dma_start3A_90 = tpu.memref_slice %arg5[%dma_start3A_88, %dma_start3A_89] : memref<128x128xf32, #tpu.memory_space<vmem>> -> memref<112x128xf32, #tpu.memory_space<vmem>>
      tpu.enqueue_dma source(%dma_start3A_90 : memref<112x128xf32, #tpu.memory_space<vmem>>) target(%dma_start3A_87 : memref<112x128xf32, #tpu.memory_space<vmem_shared>>) target_semaphore(%run_scoped3A : memref<!tpu.dma_semaphore, #tpu.memory_space<semaphore_mem>>)
      %dma_wait3A = arith.constant 0 : i32
      %dma_wait3A_91 = arith.constant 0 : i32
      %dma_wait3A_92 = tpu.memref_slice %arg5[%dma_wait3A, %dma_wait3A_91] : memref<128x128xf32, #tpu.memory_space<vmem>> -> memref<112x128xf32, #tpu.memory_space<vmem>>
      %dma_wait3A_93 = arith.constant 0 : i32
      %dma_wait3A_94 = tpu.memref_slice %arg12[%sub3A_25, %dma_wait3A_93] : memref<10000x128xf32, #tpu.memory_space<vmem_shared>> -> memref<112x128xf32, #tpu.memory_space<vmem_shared>>
      %dma_wait3A_95 = arith.constant 0 : i32
      %dma_wait3A_96 = tpu.memref_slice %arg12[%sub3A_25, %dma_wait3A_95] : memref<10000x128xf32, #tpu.memory_space<vmem_shared>> -> memref<112x128xf32, #tpu.memory_space<vmem_shared>>
      %dma_wait3A_97 = arith.constant 0 : i32
      %dma_wait3A_98 = arith.constant 0 : i32
      %dma_wait3A_99 = tpu.memref_slice %arg5[%dma_wait3A_97, %dma_wait3A_98] : memref<128x128xf32, #tpu.memory_space<vmem>> -> memref<112x128xf32, #tpu.memory_space<vmem>>
      tpu.wait_dma2 semaphore(%run_scoped3A : memref<!tpu.dma_semaphore, #tpu.memory_space<semaphore_mem>>) src(%dma_wait3A_99 : memref<112x128xf32, #tpu.memory_space<vmem>>) dst(%dma_wait3A_96 : memref<112x128xf32, #tpu.memory_space<vmem_shared>>)
      tpu.yield
    }) : () -> ()
    %eq3A = arith.constant 15 : i32
    %eq3A_26 = arith.cmpi eq, %arg1, %eq3A : i32
    %convert_element_type3A = arith.extui %eq3A_26 : i1 to i32
    %cond3A = arith.constant 0 : i32
    %cond3A_27 = arith.cmpi ne, %convert_element_type3A, %cond3A : i32
    scf.if %cond3A_27 {
      %multiple_of3A_81 = arith.constant 9984 : i32
      %multiple_of3A_82 = tpu.assume_multiple %multiple_of3A_81, 8 : i32
      "tpu.region"() ({
        %run_scoped3A = tpu.sem_alloc : memref<!tpu.dma_semaphore, #tpu.memory_space<semaphore_mem>>
        %dma_start3A_83 = arith.constant 0 : i32
        %dma_start3A_84 = arith.constant 0 : i32
        %dma_start3A_85 = tpu.memref_slice %arg5[%dma_start3A_83, %dma_start3A_84] : memref<128x128xf32, #tpu.memory_space<vmem>> -> memref<16x128xf32, #tpu.memory_space<vmem>>
        %dma_start3A_86 = arith.constant 0 : i32
        %dma_start3A_87 = tpu.memref_slice %arg12[%multiple_of3A_82, %dma_start3A_86] : memref<10000x128xf32, #tpu.memory_space<vmem_shared>> -> memref<16x128xf32, #tpu.memory_space<vmem_shared>>
        %dma_start3A_88 = arith.constant 0 : i32
        %dma_start3A_89 = tpu.memref_slice %arg12[%multiple_of3A_82, %dma_start3A_88] : memref<10000x128xf32, #tpu.memory_space<vmem_shared>> -> memref<16x128xf32, #tpu.memory_space<vmem_shared>>
        %dma_start3A_90 = arith.constant 0 : i32
        %dma_start3A_91 = arith.constant 0 : i32
        %dma_start3A_92 = tpu.memref_slice %arg5[%dma_start3A_90, %dma_start3A_91] : memref<128x128xf32, #tpu.memory_space<vmem>> -> memref<16x128xf32, #tpu.memory_space<vmem>>
        tpu.enqueue_dma source(%dma_start3A_92 : memref<16x128xf32, #tpu.memory_space<vmem>>) target(%dma_start3A_89 : memref<16x128xf32, #tpu.memory_space<vmem_shared>>) target_semaphore(%run_scoped3A : memref<!tpu.dma_semaphore, #tpu.memory_space<semaphore_mem>>)
        %dma_wait3A = arith.constant 0 : i32
        %dma_wait3A_93 = arith.constant 0 : i32
        %dma_wait3A_94 = tpu.memref_slice %arg5[%dma_wait3A, %dma_wait3A_93] : memref<128x128xf32, #tpu.memory_space<vmem>> -> memref<16x128xf32, #tpu.memory_space<vmem>>
        %dma_wait3A_95 = arith.constant 0 : i32
        %dma_wait3A_96 = tpu.memref_slice %arg12[%multiple_of3A_82, %dma_wait3A_95] : memref<10000x128xf32, #tpu.memory_space<vmem_shared>> -> memref<16x128xf32, #tpu.memory_space<vmem_shared>>
        %dma_wait3A_97 = arith.constant 0 : i32
        %dma_wait3A_98 = tpu.memref_slice %arg12[%multiple_of3A_82, %dma_wait3A_97] : memref<10000x128xf32, #tpu.memory_space<vmem_shared>> -> memref<16x128xf32, #tpu.memory_space<vmem_shared>>
        %dma_wait3A_99 = arith.constant 0 : i32
        %dma_wait3A_100 = arith.constant 0 : i32
        %dma_wait3A_101 = tpu.memref_slice %arg5[%dma_wait3A_99, %dma_wait3A_100] : memref<128x128xf32, #tpu.memory_space<vmem>> -> memref<16x128xf32, #tpu.memory_space<vmem>>
        tpu.wait_dma2 semaphore(%run_scoped3A : memref<!tpu.dma_semaphore, #tpu.memory_space<semaphore_mem>>) src(%dma_wait3A_101 : memref<16x128xf32, #tpu.memory_space<vmem>>) dst(%dma_wait3A_98 : memref<16x128xf32, #tpu.memory_space<vmem_shared>>)
        tpu.yield
      }) : () -> ()
    } else {
    }
    %barrier3A = arith.constant 0 : index
    tpu.barrier barrier_id(%barrier3A)
    %add3A_28 = arith.constant 0 : i32
    %add3A_29 = arith.addi %mul3A_2, %add3A_28 : i32
    %multiple_of3A_30 = tpu.assume_multiple %add3A_29, 8 : i32
    %dma_start3A = arith.constant 0 : i32
    %dma_start3A_31 = tpu.memref_slice %arg2[%multiple_of3A_30, %dma_start3A] : memref<160000x128xf32, #tpu.memory_space<hbm>> -> memref<128x128xf32, #tpu.memory_space<hbm>>
    %dma_start3A_32 = arith.constant 0 : i32
    %dma_start3A_33 = tpu.memref_slice %arg2[%multiple_of3A_30, %dma_start3A_32] : memref<160000x128xf32, #tpu.memory_space<hbm>> -> memref<128x128xf32, #tpu.memory_space<hbm>>
    tpu.enqueue_dma source(%dma_start3A_33 : memref<128x128xf32, #tpu.memory_space<hbm>>) target(%arg5 : memref<128x128xf32, #tpu.memory_space<vmem>>) target_semaphore(%arg13 : memref<!tpu.dma_semaphore, #tpu.memory_space<semaphore_mem>>)
    %add3A_34 = arith.constant 0 : i32
    %add3A_35 = arith.addi %add3A_6, %add3A_34 : i32
    %multiple_of3A_36 = tpu.assume_multiple %add3A_35, 8 : i32
    %dma_start3A_37 = tpu.memref_slice %arg3[%multiple_of3A_36] : memref<320000xi32, #tpu.memory_space<hbm>> -> memref<128xi32, #tpu.memory_space<hbm>>
    %dma_start3A_38 = tpu.memref_slice %arg3[%multiple_of3A_36] : memref<320000xi32, #tpu.memory_space<hbm>> -> memref<128xi32, #tpu.memory_space<hbm>>
    tpu.enqueue_dma source(%dma_start3A_38 : memref<128xi32, #tpu.memory_space<hbm>>) target(%arg8 : memref<128xi32, #tpu.memory_space<vmem>>) target_semaphore(%arg16 : memref<!tpu.dma_semaphore, #tpu.memory_space<semaphore_mem>>)
    %add3A_39 = arith.constant 128 : i32
    %add3A_40 = arith.addi %mul3A_2, %add3A_39 : i32
    %multiple_of3A_41 = tpu.assume_multiple %add3A_40, 8 : i32
    %dma_start3A_42 = arith.constant 0 : i32
    %dma_start3A_43 = tpu.memref_slice %arg2[%multiple_of3A_41, %dma_start3A_42] : memref<160000x128xf32, #tpu.memory_space<hbm>> -> memref<128x128xf32, #tpu.memory_space<hbm>>
    %dma_start3A_44 = arith.constant 0 : i32
    %dma_start3A_45 = tpu.memref_slice %arg2[%multiple_of3A_41, %dma_start3A_44] : memref<160000x128xf32, #tpu.memory_space<hbm>> -> memref<128x128xf32, #tpu.memory_space<hbm>>
    tpu.enqueue_dma source(%dma_start3A_45 : memref<128x128xf32, #tpu.memory_space<hbm>>) target(%arg6 : memref<128x128xf32, #tpu.memory_space<vmem>>) target_semaphore(%arg14 : memref<!tpu.dma_semaphore, #tpu.memory_space<semaphore_mem>>)
    %add3A_46 = arith.constant 128 : i32
    %add3A_47 = arith.addi %add3A_6, %add3A_46 : i32
    %multiple_of3A_48 = tpu.assume_multiple %add3A_47, 8 : i32
    %dma_start3A_49 = tpu.memref_slice %arg3[%multiple_of3A_48] : memref<320000xi32, #tpu.memory_space<hbm>> -> memref<128xi32, #tpu.memory_space<hbm>>
    %dma_start3A_50 = tpu.memref_slice %arg3[%multiple_of3A_48] : memref<320000xi32, #tpu.memory_space<hbm>> -> memref<128xi32, #tpu.memory_space<hbm>>
    tpu.enqueue_dma source(%dma_start3A_50 : memref<128xi32, #tpu.memory_space<hbm>>) target(%arg9 : memref<128xi32, #tpu.memory_space<vmem>>) target_semaphore(%arg17 : memref<!tpu.dma_semaphore, #tpu.memory_space<semaphore_mem>>)
    %add3A_51 = arith.constant 256 : i32
    %add3A_52 = arith.addi %mul3A_2, %add3A_51 : i32
    %multiple_of3A_53 = tpu.assume_multiple %add3A_52, 8 : i32
    %dma_start3A_54 = arith.constant 0 : i32
    %dma_start3A_55 = tpu.memref_slice %arg2[%multiple_of3A_53, %dma_start3A_54] : memref<160000x128xf32, #tpu.memory_space<hbm>> -> memref<128x128xf32, #tpu.memory_space<hbm>>
    %dma_start3A_56 = arith.constant 0 : i32
    %dma_start3A_57 = tpu.memref_slice %arg2[%multiple_of3A_53, %dma_start3A_56] : memref<160000x128xf32, #tpu.memory_space<hbm>> -> memref<128x128xf32, #tpu.memory_space<hbm>>
    tpu.enqueue_dma source(%dma_start3A_57 : memref<128x128xf32, #tpu.memory_space<hbm>>) target(%arg7 : memref<128x128xf32, #tpu.memory_space<vmem>>) target_semaphore(%arg15 : memref<!tpu.dma_semaphore, #tpu.memory_space<semaphore_mem>>)
    %add3A_58 = arith.constant 256 : i32
    %add3A_59 = arith.addi %add3A_6, %add3A_58 : i32
    %multiple_of3A_60 = tpu.assume_multiple %add3A_59, 8 : i32
    %dma_start3A_61 = tpu.memref_slice %arg3[%multiple_of3A_60] : memref<320000xi32, #tpu.memory_space<hbm>> -> memref<128xi32, #tpu.memory_space<hbm>>
    %dma_start3A_62 = tpu.memref_slice %arg3[%multiple_of3A_60] : memref<320000xi32, #tpu.memory_space<hbm>> -> memref<128xi32, #tpu.memory_space<hbm>>
    tpu.enqueue_dma source(%dma_start3A_62 : memref<128xi32, #tpu.memory_space<hbm>>) target(%arg10 : memref<128xi32, #tpu.memory_space<vmem>>) target_semaphore(%arg18 : memref<!tpu.dma_semaphore, #tpu.memory_space<semaphore_mem>>)
    %scan3A_63 = arith.constant 0 : i32
    %scan3A_64 = arith.constant 0 : i32
    %scan3A_65 = arith.constant 13 : i32
    %scan3A_66 = arith.addi %scan3A_64, %scan3A_65 : i32
    %scan3A_67 = arith.constant 1 : i32
    scf.for %scan3A_81 = %scan3A_64 to %scan3A_66 step %scan3A_67  : i32 {
      %mul3A_82 = arith.constant 3 : i32
      %mul3A_83 = arith.muli %scan3A_81, %mul3A_82 : i32
      %add3A_84 = arith.constant 0 : i32
      %add3A_85 = arith.addi %mul3A_83, %add3A_84 : i32
      %mul3A_86 = arith.constant 128 : i32
      %mul3A_87 = arith.muli %add3A_85, %mul3A_86 : i32
      %add3A_88 = arith.addi %mul3A_2, %mul3A_87 : i32
      %multiple_of3A_89 = tpu.assume_multiple %add3A_88, 8 : i32
      %dma_wait3A = arith.constant 0 : i32
      %dma_wait3A_90 = tpu.memref_slice %arg2[%multiple_of3A_89, %dma_wait3A] : memref<160000x128xf32, #tpu.memory_space<hbm>> -> memref<128x128xf32, #tpu.memory_space<hbm>>
      %dma_wait3A_91 = arith.constant 0 : i32
      %dma_wait3A_92 = tpu.memref_slice %arg2[%multiple_of3A_89, %dma_wait3A_91] : memref<160000x128xf32, #tpu.memory_space<hbm>> -> memref<128x128xf32, #tpu.memory_space<hbm>>
      tpu.wait_dma2 semaphore(%arg13 : memref<!tpu.dma_semaphore, #tpu.memory_space<semaphore_mem>>) src(%dma_wait3A_92 : memref<128x128xf32, #tpu.memory_space<hbm>>) dst(%arg5 : memref<128x128xf32, #tpu.memory_space<vmem>>)
      %mul3A_93 = arith.constant 128 : i32
      %mul3A_94 = arith.muli %add3A_85, %mul3A_93 : i32
      %add3A_95 = arith.addi %add3A_6, %mul3A_94 : i32
      %multiple_of3A_96 = tpu.assume_multiple %add3A_95, 8 : i32
      %dma_wait3A_97 = tpu.memref_slice %arg3[%multiple_of3A_96] : memref<320000xi32, #tpu.memory_space<hbm>> -> memref<128xi32, #tpu.memory_space<hbm>>
      %dma_wait3A_98 = tpu.memref_slice %arg3[%multiple_of3A_96] : memref<320000xi32, #tpu.memory_space<hbm>> -> memref<128xi32, #tpu.memory_space<hbm>>
      tpu.wait_dma2 semaphore(%arg16 : memref<!tpu.dma_semaphore, #tpu.memory_space<semaphore_mem>>) src(%dma_wait3A_98 : memref<128xi32, #tpu.memory_space<hbm>>) dst(%arg8 : memref<128xi32, #tpu.memory_space<vmem>>)
      "tpu.region"() ({
        %run_scoped3A = tpu.sem_alloc : memref<!tpu.dma_semaphore, #tpu.memory_space<semaphore_mem>>
        %dma_start3A_155 = arith.constant 0 : i32
        %dma_start3A_156 = arith.constant 0 : i32
        %dma_start3A_157 = tpu.memref_slice %arg12[%dma_start3A_155, %dma_start3A_156] : memref<10000x128xf32, #tpu.memory_space<vmem_shared>> -> memref<10000x128xf32, #tpu.memory_space<vmem_shared>>
        tpu.enqueue_indirect_dma source(%arg5 : memref<128x128xf32, #tpu.memory_space<vmem>>) target(%dma_start3A_157 : memref<10000x128xf32, #tpu.memory_space<vmem_shared>>) offsets(%arg8 : memref<128xi32, #tpu.memory_space<vmem>>) semaphore(%run_scoped3A : memref<!tpu.dma_semaphore, #tpu.memory_space<semaphore_mem>>) {add = true}
        %dma_wait3A_158 = arith.constant 0 : i32
        %dma_wait3A_159 = arith.constant 0 : i32
        %dma_wait3A_160 = tpu.memref_slice %arg12[%dma_wait3A_158, %dma_wait3A_159] : memref<10000x128xf32, #tpu.memory_space<vmem_shared>> -> memref<10000x128xf32, #tpu.memory_space<vmem_shared>>
        tpu.wait_indirect_dma semaphore(%run_scoped3A : memref<!tpu.dma_semaphore, #tpu.memory_space<semaphore_mem>>) src(%arg5 : memref<128x128xf32, #tpu.memory_space<vmem>>) dst(%dma_wait3A_160 : memref<10000x128xf32, #tpu.memory_space<vmem_shared>>)
        tpu.yield
      }) : () -> ()
      %add3A_99 = arith.constant 3 : i32
      %add3A_100 = arith.addi %add3A_85, %add3A_99 : i32
      %lt3A = arith.constant 39 : i32
      %lt3A_101 = arith.cmpi slt, %add3A_100, %lt3A : i32
      %convert_element_type3A_102 = arith.extui %lt3A_101 : i1 to i32
      %cond3A_103 = arith.constant 0 : i32
      %cond3A_104 = arith.cmpi ne, %convert_element_type3A_102, %cond3A_103 : i32
      scf.if %cond3A_104 {
        %mul3A_155 = arith.constant 128 : i32
        %mul3A_156 = arith.muli %add3A_100, %mul3A_155 : i32
        %add3A_157 = arith.addi %mul3A_2, %mul3A_156 : i32
        %multiple_of3A_158 = tpu.assume_multiple %add3A_157, 8 : i32
        %dma_start3A_159 = arith.constant 0 : i32
        %dma_start3A_160 = tpu.memref_slice %arg2[%multiple_of3A_158, %dma_start3A_159] : memref<160000x128xf32, #tpu.memory_space<hbm>> -> memref<128x128xf32, #tpu.memory_space<hbm>>
        %dma_start3A_161 = arith.constant 0 : i32
        %dma_start3A_162 = tpu.memref_slice %arg2[%multiple_of3A_158, %dma_start3A_161] : memref<160000x128xf32, #tpu.memory_space<hbm>> -> memref<128x128xf32, #tpu.memory_space<hbm>>
        tpu.enqueue_dma source(%dma_start3A_162 : memref<128x128xf32, #tpu.memory_space<hbm>>) target(%arg5 : memref<128x128xf32, #tpu.memory_space<vmem>>) target_semaphore(%arg13 : memref<!tpu.dma_semaphore, #tpu.memory_space<semaphore_mem>>)
        %mul3A_163 = arith.constant 128 : i32
        %mul3A_164 = arith.muli %add3A_100, %mul3A_163 : i32
        %add3A_165 = arith.addi %add3A_6, %mul3A_164 : i32
        %multiple_of3A_166 = tpu.assume_multiple %add3A_165, 8 : i32
        %dma_start3A_167 = tpu.memref_slice %arg3[%multiple_of3A_166] : memref<320000xi32, #tpu.memory_space<hbm>> -> memref<128xi32, #tpu.memory_space<hbm>>
        %dma_start3A_168 = tpu.memref_slice %arg3[%multiple_of3A_166] : memref<320000xi32, #tpu.memory_space<hbm>> -> memref<128xi32, #tpu.memory_space<hbm>>
        tpu.enqueue_dma source(%dma_start3A_168 : memref<128xi32, #tpu.memory_space<hbm>>) target(%arg8 : memref<128xi32, #tpu.memory_space<vmem>>) target_semaphore(%arg16 : memref<!tpu.dma_semaphore, #tpu.memory_space<semaphore_mem>>)
      } else {
      }
      %mul3A_105 = arith.constant 3 : i32
      %mul3A_106 = arith.muli %scan3A_81, %mul3A_105 : i32
      %add3A_107 = arith.constant 1 : i32
      %add3A_108 = arith.addi %mul3A_106, %add3A_107 : i32
      %mul3A_109 = arith.constant 128 : i32
      %mul3A_110 = arith.muli %add3A_108, %mul3A_109 : i32
      %add3A_111 = arith.addi %mul3A_2, %mul3A_110 : i32
      %multiple_of3A_112 = tpu.assume_multiple %add3A_111, 8 : i32
      %dma_wait3A_113 = arith.constant 0 : i32
      %dma_wait3A_114 = tpu.memref_slice %arg2[%multiple_of3A_112, %dma_wait3A_113] : memref<160000x128xf32, #tpu.memory_space<hbm>> -> memref<128x128xf32, #tpu.memory_space<hbm>>
      %dma_wait3A_115 = arith.constant 0 : i32
      %dma_wait3A_116 = tpu.memref_slice %arg2[%multiple_of3A_112, %dma_wait3A_115] : memref<160000x128xf32, #tpu.memory_space<hbm>> -> memref<128x128xf32, #tpu.memory_space<hbm>>
      tpu.wait_dma2 semaphore(%arg14 : memref<!tpu.dma_semaphore, #tpu.memory_space<semaphore_mem>>) src(%dma_wait3A_116 : memref<128x128xf32, #tpu.memory_space<hbm>>) dst(%arg6 : memref<128x128xf32, #tpu.memory_space<vmem>>)
      %mul3A_117 = arith.constant 128 : i32
      %mul3A_118 = arith.muli %add3A_108, %mul3A_117 : i32
      %add3A_119 = arith.addi %add3A_6, %mul3A_118 : i32
      %multiple_of3A_120 = tpu.assume_multiple %add3A_119, 8 : i32
      %dma_wait3A_121 = tpu.memref_slice %arg3[%multiple_of3A_120] : memref<320000xi32, #tpu.memory_space<hbm>> -> memref<128xi32, #tpu.memory_space<hbm>>
      %dma_wait3A_122 = tpu.memref_slice %arg3[%multiple_of3A_120] : memref<320000xi32, #tpu.memory_space<hbm>> -> memref<128xi32, #tpu.memory_space<hbm>>
      tpu.wait_dma2 semaphore(%arg17 : memref<!tpu.dma_semaphore, #tpu.memory_space<semaphore_mem>>) src(%dma_wait3A_122 : memref<128xi32, #tpu.memory_space<hbm>>) dst(%arg9 : memref<128xi32, #tpu.memory_space<vmem>>)
      "tpu.region"() ({
        %run_scoped3A = tpu.sem_alloc : memref<!tpu.dma_semaphore, #tpu.memory_space<semaphore_mem>>
        %dma_start3A_155 = arith.constant 0 : i32
        %dma_start3A_156 = arith.constant 0 : i32
        %dma_start3A_157 = tpu.memref_slice %arg12[%dma_start3A_155, %dma_start3A_156] : memref<10000x128xf32, #tpu.memory_space<vmem_shared>> -> memref<10000x128xf32, #tpu.memory_space<vmem_shared>>
        tpu.enqueue_indirect_dma source(%arg6 : memref<128x128xf32, #tpu.memory_space<vmem>>) target(%dma_start3A_157 : memref<10000x128xf32, #tpu.memory_space<vmem_shared>>) offsets(%arg9 : memref<128xi32, #tpu.memory_space<vmem>>) semaphore(%run_scoped3A : memref<!tpu.dma_semaphore, #tpu.memory_space<semaphore_mem>>) {add = true}
        %dma_wait3A_158 = arith.constant 0 : i32
        %dma_wait3A_159 = arith.constant 0 : i32
        %dma_wait3A_160 = tpu.memref_slice %arg12[%dma_wait3A_158, %dma_wait3A_159] : memref<10000x128xf32, #tpu.memory_space<vmem_shared>> -> memref<10000x128xf32, #tpu.memory_space<vmem_shared>>
        tpu.wait_indirect_dma semaphore(%run_scoped3A : memref<!tpu.dma_semaphore, #tpu.memory_space<semaphore_mem>>) src(%arg6 : memref<128x128xf32, #tpu.memory_space<vmem>>) dst(%dma_wait3A_160 : memref<10000x128xf32, #tpu.memory_space<vmem_shared>>)
        tpu.yield
      }) : () -> ()
      %add3A_123 = arith.constant 3 : i32
      %add3A_124 = arith.addi %add3A_108, %add3A_123 : i32
      %lt3A_125 = arith.constant 39 : i32
      %lt3A_126 = arith.cmpi slt, %add3A_124, %lt3A_125 : i32
      %convert_element_type3A_127 = arith.extui %lt3A_126 : i1 to i32
      %cond3A_128 = arith.constant 0 : i32
      %cond3A_129 = arith.cmpi ne, %convert_element_type3A_127, %cond3A_128 : i32
      scf.if %cond3A_129 {
        %mul3A_155 = arith.constant 128 : i32
        %mul3A_156 = arith.muli %add3A_124, %mul3A_155 : i32
        %add3A_157 = arith.addi %mul3A_2, %mul3A_156 : i32
        %multiple_of3A_158 = tpu.assume_multiple %add3A_157, 8 : i32
        %dma_start3A_159 = arith.constant 0 : i32
        %dma_start3A_160 = tpu.memref_slice %arg2[%multiple_of3A_158, %dma_start3A_159] : memref<160000x128xf32, #tpu.memory_space<hbm>> -> memref<128x128xf32, #tpu.memory_space<hbm>>
        %dma_start3A_161 = arith.constant 0 : i32
        %dma_start3A_162 = tpu.memref_slice %arg2[%multiple_of3A_158, %dma_start3A_161] : memref<160000x128xf32, #tpu.memory_space<hbm>> -> memref<128x128xf32, #tpu.memory_space<hbm>>
        tpu.enqueue_dma source(%dma_start3A_162 : memref<128x128xf32, #tpu.memory_space<hbm>>) target(%arg6 : memref<128x128xf32, #tpu.memory_space<vmem>>) target_semaphore(%arg14 : memref<!tpu.dma_semaphore, #tpu.memory_space<semaphore_mem>>)
        %mul3A_163 = arith.constant 128 : i32
        %mul3A_164 = arith.muli %add3A_124, %mul3A_163 : i32
        %add3A_165 = arith.addi %add3A_6, %mul3A_164 : i32
        %multiple_of3A_166 = tpu.assume_multiple %add3A_165, 8 : i32
        %dma_start3A_167 = tpu.memref_slice %arg3[%multiple_of3A_166] : memref<320000xi32, #tpu.memory_space<hbm>> -> memref<128xi32, #tpu.memory_space<hbm>>
        %dma_start3A_168 = tpu.memref_slice %arg3[%multiple_of3A_166] : memref<320000xi32, #tpu.memory_space<hbm>> -> memref<128xi32, #tpu.memory_space<hbm>>
        tpu.enqueue_dma source(%dma_start3A_168 : memref<128xi32, #tpu.memory_space<hbm>>) target(%arg9 : memref<128xi32, #tpu.memory_space<vmem>>) target_semaphore(%arg17 : memref<!tpu.dma_semaphore, #tpu.memory_space<semaphore_mem>>)
      } else {
      }
      %mul3A_130 = arith.constant 3 : i32
      %mul3A_131 = arith.muli %scan3A_81, %mul3A_130 : i32
      %add3A_132 = arith.constant 2 : i32
      %add3A_133 = arith.addi %mul3A_131, %add3A_132 : i32
      %mul3A_134 = arith.constant 128 : i32
      %mul3A_135 = arith.muli %add3A_133, %mul3A_134 : i32
      %add3A_136 = arith.addi %mul3A_2, %mul3A_135 : i32
      %multiple_of3A_137 = tpu.assume_multiple %add3A_136, 8 : i32
      %dma_wait3A_138 = arith.constant 0 : i32
      %dma_wait3A_139 = tpu.memref_slice %arg2[%multiple_of3A_137, %dma_wait3A_138] : memref<160000x128xf32, #tpu.memory_space<hbm>> -> memref<128x128xf32, #tpu.memory_space<hbm>>
      %dma_wait3A_140 = arith.constant 0 : i32
      %dma_wait3A_141 = tpu.memref_slice %arg2[%multiple_of3A_137, %dma_wait3A_140] : memref<160000x128xf32, #tpu.memory_space<hbm>> -> memref<128x128xf32, #tpu.memory_space<hbm>>
      tpu.wait_dma2 semaphore(%arg15 : memref<!tpu.dma_semaphore, #tpu.memory_space<semaphore_mem>>) src(%dma_wait3A_141 : memref<128x128xf32, #tpu.memory_space<hbm>>) dst(%arg7 : memref<128x128xf32, #tpu.memory_space<vmem>>)
      %mul3A_142 = arith.constant 128 : i32
      %mul3A_143 = arith.muli %add3A_133, %mul3A_142 : i32
      %add3A_144 = arith.addi %add3A_6, %mul3A_143 : i32
      %multiple_of3A_145 = tpu.assume_multiple %add3A_144, 8 : i32
      %dma_wait3A_146 = tpu.memref_slice %arg3[%multiple_of3A_145] : memref<320000xi32, #tpu.memory_space<hbm>> -> memref<128xi32, #tpu.memory_space<hbm>>
      %dma_wait3A_147 = tpu.memref_slice %arg3[%multiple_of3A_145] : memref<320000xi32, #tpu.memory_space<hbm>> -> memref<128xi32, #tpu.memory_space<hbm>>
      tpu.wait_dma2 semaphore(%arg18 : memref<!tpu.dma_semaphore, #tpu.memory_space<semaphore_mem>>) src(%dma_wait3A_147 : memref<128xi32, #tpu.memory_space<hbm>>) dst(%arg10 : memref<128xi32, #tpu.memory_space<vmem>>)
      "tpu.region"() ({
        %run_scoped3A = tpu.sem_alloc : memref<!tpu.dma_semaphore, #tpu.memory_space<semaphore_mem>>
        %dma_start3A_155 = arith.constant 0 : i32
        %dma_start3A_156 = arith.constant 0 : i32
        %dma_start3A_157 = tpu.memref_slice %arg12[%dma_start3A_155, %dma_start3A_156] : memref<10000x128xf32, #tpu.memory_space<vmem_shared>> -> memref<10000x128xf32, #tpu.memory_space<vmem_shared>>
        tpu.enqueue_indirect_dma source(%arg7 : memref<128x128xf32, #tpu.memory_space<vmem>>) target(%dma_start3A_157 : memref<10000x128xf32, #tpu.memory_space<vmem_shared>>) offsets(%arg10 : memref<128xi32, #tpu.memory_space<vmem>>) semaphore(%run_scoped3A : memref<!tpu.dma_semaphore, #tpu.memory_space<semaphore_mem>>) {add = true}
        %dma_wait3A_158 = arith.constant 0 : i32
        %dma_wait3A_159 = arith.constant 0 : i32
        %dma_wait3A_160 = tpu.memref_slice %arg12[%dma_wait3A_158, %dma_wait3A_159] : memref<10000x128xf32, #tpu.memory_space<vmem_shared>> -> memref<10000x128xf32, #tpu.memory_space<vmem_shared>>
        tpu.wait_indirect_dma semaphore(%run_scoped3A : memref<!tpu.dma_semaphore, #tpu.memory_space<semaphore_mem>>) src(%arg7 : memref<128x128xf32, #tpu.memory_space<vmem>>) dst(%dma_wait3A_160 : memref<10000x128xf32, #tpu.memory_space<vmem_shared>>)
        tpu.yield
      }) : () -> ()
      %add3A_148 = arith.constant 3 : i32
      %add3A_149 = arith.addi %add3A_133, %add3A_148 : i32
      %lt3A_150 = arith.constant 39 : i32
      %lt3A_151 = arith.cmpi slt, %add3A_149, %lt3A_150 : i32
      %convert_element_type3A_152 = arith.extui %lt3A_151 : i1 to i32
      %cond3A_153 = arith.constant 0 : i32
      %cond3A_154 = arith.cmpi ne, %convert_element_type3A_152, %cond3A_153 : i32
      scf.if %cond3A_154 {
        %mul3A_155 = arith.constant 128 : i32
        %mul3A_156 = arith.muli %add3A_149, %mul3A_155 : i32
        %add3A_157 = arith.addi %mul3A_2, %mul3A_156 : i32
        %multiple_of3A_158 = tpu.assume_multiple %add3A_157, 8 : i32
        %dma_start3A_159 = arith.constant 0 : i32
        %dma_start3A_160 = tpu.memref_slice %arg2[%multiple_of3A_158, %dma_start3A_159] : memref<160000x128xf32, #tpu.memory_space<hbm>> -> memref<128x128xf32, #tpu.memory_space<hbm>>
        %dma_start3A_161 = arith.constant 0 : i32
        %dma_start3A_162 = tpu.memref_slice %arg2[%multiple_of3A_158, %dma_start3A_161] : memref<160000x128xf32, #tpu.memory_space<hbm>> -> memref<128x128xf32, #tpu.memory_space<hbm>>
        tpu.enqueue_dma source(%dma_start3A_162 : memref<128x128xf32, #tpu.memory_space<hbm>>) target(%arg7 : memref<128x128xf32, #tpu.memory_space<vmem>>) target_semaphore(%arg15 : memref<!tpu.dma_semaphore, #tpu.memory_space<semaphore_mem>>)
        %mul3A_163 = arith.constant 128 : i32
        %mul3A_164 = arith.muli %add3A_149, %mul3A_163 : i32
        %add3A_165 = arith.addi %add3A_6, %mul3A_164 : i32
        %multiple_of3A_166 = tpu.assume_multiple %add3A_165, 8 : i32
        %dma_start3A_167 = tpu.memref_slice %arg3[%multiple_of3A_166] : memref<320000xi32, #tpu.memory_space<hbm>> -> memref<128xi32, #tpu.memory_space<hbm>>
        %dma_start3A_168 = tpu.memref_slice %arg3[%multiple_of3A_166] : memref<320000xi32, #tpu.memory_space<hbm>> -> memref<128xi32, #tpu.memory_space<hbm>>
        tpu.enqueue_dma source(%dma_start3A_168 : memref<128xi32, #tpu.memory_space<hbm>>) target(%arg10 : memref<128xi32, #tpu.memory_space<vmem>>) target_semaphore(%arg18 : memref<!tpu.dma_semaphore, #tpu.memory_space<semaphore_mem>>)
      } else {
      }
    }
    %scan3A_68 = arith.constant 13 : i32
    %add3A_69 = arith.constant 4992 : i32
    %add3A_70 = arith.addi %mul3A_2, %add3A_69 : i32
    %multiple_of3A_71 = tpu.assume_multiple %add3A_70, 8 : i32
    %add3A_72 = arith.constant 4992 : i32
    %add3A_73 = arith.addi %add3A_6, %add3A_72 : i32
    %multiple_of3A_74 = tpu.assume_multiple %add3A_73, 8 : i32
    "tpu.region"() ({
      %run_scoped3A = tpu.sem_alloc : memref<!tpu.dma_semaphore, #tpu.memory_space<semaphore_mem>>
      %dma_start3A_81 = arith.constant 0 : i32
      %dma_start3A_82 = arith.constant 0 : i32
      %dma_start3A_83 = tpu.memref_slice %arg5[%dma_start3A_81, %dma_start3A_82] : memref<128x128xf32, #tpu.memory_space<vmem>> -> memref<8x128xf32, #tpu.memory_space<vmem>>
      %dma_start3A_84 = arith.constant 0 : i32
      %dma_start3A_85 = tpu.memref_slice %arg2[%multiple_of3A_71, %dma_start3A_84] : memref<160000x128xf32, #tpu.memory_space<hbm>> -> memref<8x128xf32, #tpu.memory_space<hbm>>
      %dma_start3A_86 = arith.constant 0 : i32
      %dma_start3A_87 = arith.constant 0 : i32
      %dma_start3A_88 = tpu.memref_slice %arg5[%dma_start3A_86, %dma_start3A_87] : memref<128x128xf32, #tpu.memory_space<vmem>> -> memref<8x128xf32, #tpu.memory_space<vmem>>
      %dma_start3A_89 = arith.constant 0 : i32
      %dma_start3A_90 = tpu.memref_slice %arg2[%multiple_of3A_71, %dma_start3A_89] : memref<160000x128xf32, #tpu.memory_space<hbm>> -> memref<8x128xf32, #tpu.memory_space<hbm>>
      tpu.enqueue_dma source(%dma_start3A_90 : memref<8x128xf32, #tpu.memory_space<hbm>>) target(%dma_start3A_88 : memref<8x128xf32, #tpu.memory_space<vmem>>) target_semaphore(%run_scoped3A : memref<!tpu.dma_semaphore, #tpu.memory_space<semaphore_mem>>)
      %dma_wait3A = arith.constant 0 : i32
      %dma_wait3A_91 = arith.constant 0 : i32
      %dma_wait3A_92 = tpu.memref_slice %arg5[%dma_wait3A, %dma_wait3A_91] : memref<128x128xf32, #tpu.memory_space<vmem>> -> memref<8x128xf32, #tpu.memory_space<vmem>>
      %dma_wait3A_93 = arith.constant 0 : i32
      %dma_wait3A_94 = tpu.memref_slice %arg2[%multiple_of3A_71, %dma_wait3A_93] : memref<160000x128xf32, #tpu.memory_space<hbm>> -> memref<8x128xf32, #tpu.memory_space<hbm>>
      %dma_wait3A_95 = arith.constant 0 : i32
      %dma_wait3A_96 = arith.constant 0 : i32
      %dma_wait3A_97 = tpu.memref_slice %arg5[%dma_wait3A_95, %dma_wait3A_96] : memref<128x128xf32, #tpu.memory_space<vmem>> -> memref<8x128xf32, #tpu.memory_space<vmem>>
      %dma_wait3A_98 = arith.constant 0 : i32
      %dma_wait3A_99 = tpu.memref_slice %arg2[%multiple_of3A_71, %dma_wait3A_98] : memref<160000x128xf32, #tpu.memory_space<hbm>> -> memref<8x128xf32, #tpu.memory_space<hbm>>
      tpu.wait_dma2 semaphore(%run_scoped3A : memref<!tpu.dma_semaphore, #tpu.memory_space<semaphore_mem>>) src(%dma_wait3A_99 : memref<8x128xf32, #tpu.memory_space<hbm>>) dst(%dma_wait3A_97 : memref<8x128xf32, #tpu.memory_space<vmem>>)
      tpu.yield
    }) : () -> ()
    "tpu.region"() ({
      %run_scoped3A = tpu.sem_alloc : memref<!tpu.dma_semaphore, #tpu.memory_space<semaphore_mem>>
      %dma_start3A_81 = arith.constant 0 : i32
      %dma_start3A_82 = tpu.memref_slice %arg11[%dma_start3A_81] : memref<128xi32, #tpu.memory_space<vmem>> -> memref<8xi32, #tpu.memory_space<vmem>>
      %dma_start3A_83 = tpu.memref_slice %arg3[%multiple_of3A_74] : memref<320000xi32, #tpu.memory_space<hbm>> -> memref<8xi32, #tpu.memory_space<hbm>>
      %dma_start3A_84 = arith.constant 0 : i32
      %dma_start3A_85 = tpu.memref_slice %arg11[%dma_start3A_84] : memref<128xi32, #tpu.memory_space<vmem>> -> memref<8xi32, #tpu.memory_space<vmem>>
      %dma_start3A_86 = tpu.memref_slice %arg3[%multiple_of3A_74] : memref<320000xi32, #tpu.memory_space<hbm>> -> memref<8xi32, #tpu.memory_space<hbm>>
      tpu.enqueue_dma source(%dma_start3A_86 : memref<8xi32, #tpu.memory_space<hbm>>) target(%dma_start3A_85 : memref<8xi32, #tpu.memory_space<vmem>>) target_semaphore(%run_scoped3A : memref<!tpu.dma_semaphore, #tpu.memory_space<semaphore_mem>>)
      %dma_wait3A = arith.constant 0 : i32
      %dma_wait3A_87 = tpu.memref_slice %arg11[%dma_wait3A] : memref<128xi32, #tpu.memory_space<vmem>> -> memref<8xi32, #tpu.memory_space<vmem>>
      %dma_wait3A_88 = tpu.memref_slice %arg3[%multiple_of3A_74] : memref<320000xi32, #tpu.memory_space<hbm>> -> memref<8xi32, #tpu.memory_space<hbm>>
      %dma_wait3A_89 = arith.constant 0 : i32
      %dma_wait3A_90 = tpu.memref_slice %arg11[%dma_wait3A_89] : memref<128xi32, #tpu.memory_space<vmem>> -> memref<8xi32, #tpu.memory_space<vmem>>
      %dma_wait3A_91 = tpu.memref_slice %arg3[%multiple_of3A_74] : memref<320000xi32, #tpu.memory_space<hbm>> -> memref<8xi32, #tpu.memory_space<hbm>>
      tpu.wait_dma2 semaphore(%run_scoped3A : memref<!tpu.dma_semaphore, #tpu.memory_space<semaphore_mem>>) src(%dma_wait3A_91 : memref<8xi32, #tpu.memory_space<hbm>>) dst(%dma_wait3A_90 : memref<8xi32, #tpu.memory_space<vmem>>)
      tpu.yield
    }) : () -> ()
    "tpu.region"() ({
      %run_scoped3A = tpu.sem_alloc : memref<!tpu.dma_semaphore, #tpu.memory_space<semaphore_mem>>
      %dma_start3A_81 = arith.constant 0 : i32
      %dma_start3A_82 = arith.constant 0 : i32
      %dma_start3A_83 = tpu.memref_slice %arg5[%dma_start3A_81, %dma_start3A_82] : memref<128x128xf32, #tpu.memory_space<vmem>> -> memref<8x128xf32, #tpu.memory_space<vmem>>
      %dma_start3A_84 = arith.constant 0 : i32
      %dma_start3A_85 = tpu.memref_slice %arg11[%dma_start3A_84] : memref<128xi32, #tpu.memory_space<vmem>> -> memref<8xi32, #tpu.memory_space<vmem>>
      %dma_start3A_86 = arith.constant 0 : i32
      %dma_start3A_87 = arith.constant 0 : i32
      %dma_start3A_88 = tpu.memref_slice %arg12[%dma_start3A_86, %dma_start3A_87] : memref<10000x128xf32, #tpu.memory_space<vmem_shared>> -> memref<10000x128xf32, #tpu.memory_space<vmem_shared>>
      tpu.enqueue_indirect_dma source(%dma_start3A_83 : memref<8x128xf32, #tpu.memory_space<vmem>>) target(%dma_start3A_88 : memref<10000x128xf32, #tpu.memory_space<vmem_shared>>) offsets(%dma_start3A_85 : memref<8xi32, #tpu.memory_space<vmem>>) semaphore(%run_scoped3A : memref<!tpu.dma_semaphore, #tpu.memory_space<semaphore_mem>>) {add = true}
      %dma_wait3A = arith.constant 0 : i32
      %dma_wait3A_89 = arith.constant 0 : i32
      %dma_wait3A_90 = tpu.memref_slice %arg5[%dma_wait3A, %dma_wait3A_89] : memref<128x128xf32, #tpu.memory_space<vmem>> -> memref<8x128xf32, #tpu.memory_space<vmem>>
      %dma_wait3A_91 = arith.constant 0 : i32
      %dma_wait3A_92 = tpu.memref_slice %arg11[%dma_wait3A_91] : memref<128xi32, #tpu.memory_space<vmem>> -> memref<8xi32, #tpu.memory_space<vmem>>
      %dma_wait3A_93 = arith.constant 0 : i32
      %dma_wait3A_94 = arith.constant 0 : i32
      %dma_wait3A_95 = tpu.memref_slice %arg12[%dma_wait3A_93, %dma_wait3A_94] : memref<10000x128xf32, #tpu.memory_space<vmem_shared>> -> memref<10000x128xf32, #tpu.memory_space<vmem_shared>>
      tpu.wait_indirect_dma semaphore(%run_scoped3A : memref<!tpu.dma_semaphore, #tpu.memory_space<semaphore_mem>>) src(%dma_wait3A_90 : memref<8x128xf32, #tpu.memory_space<vmem>>) dst(%dma_wait3A_95 : memref<10000x128xf32, #tpu.memory_space<vmem_shared>>)
      tpu.yield
    }) : () -> ()
    %barrier3A_75 = arith.constant 0 : index
    tpu.barrier barrier_id(%barrier3A_75)
    "tpu.region"() ({
      %run_scoped3A = tpu.sem_alloc : memref<!tpu.dma_semaphore, #tpu.memory_space<semaphore_mem>>
      %dma_start3A_81 = arith.constant 0 : i32
      %dma_start3A_82 = arith.constant 0 : i32
      %dma_start3A_83 = tpu.memref_slice %arg4[%arg0, %dma_start3A_81, %dma_start3A_82] : memref<2x10000x128xf32, #tpu.memory_space<hbm>> -> memref<1x10000x128xf32, #tpu.memory_space<hbm>>
      %dma_start3A_84 = tpu.memref_squeeze %dma_start3A_83 : memref<1x10000x128xf32, #tpu.memory_space<hbm>> -> memref<10000x128xf32, #tpu.memory_space<hbm>>
      %dma_start3A_85 = arith.constant 0 : i32
      %dma_start3A_86 = tpu.memref_slice %dma_start3A_84[%multiple_of3A, %dma_start3A_85] : memref<10000x128xf32, #tpu.memory_space<hbm>> -> memref<624x128xf32, #tpu.memory_space<hbm>>
      %dma_start3A_87 = arith.constant 0 : i32
      %dma_start3A_88 = tpu.memref_slice %arg12[%multiple_of3A, %dma_start3A_87] : memref<10000x128xf32, #tpu.memory_space<vmem_shared>> -> memref<624x128xf32, #tpu.memory_space<vmem_shared>>
      tpu.enqueue_dma source(%dma_start3A_88 : memref<624x128xf32, #tpu.memory_space<vmem_shared>>) target(%dma_start3A_86 : memref<624x128xf32, #tpu.memory_space<hbm>>) target_semaphore(%run_scoped3A : memref<!tpu.dma_semaphore, #tpu.memory_space<semaphore_mem>>)
      %dma_wait3A = arith.constant 0 : i32
      %dma_wait3A_89 = arith.constant 0 : i32
      %dma_wait3A_90 = tpu.memref_slice %arg4[%arg0, %dma_wait3A, %dma_wait3A_89] : memref<2x10000x128xf32, #tpu.memory_space<hbm>> -> memref<1x10000x128xf32, #tpu.memory_space<hbm>>
      %dma_wait3A_91 = tpu.memref_squeeze %dma_wait3A_90 : memref<1x10000x128xf32, #tpu.memory_space<hbm>> -> memref<10000x128xf32, #tpu.memory_space<hbm>>
      %dma_wait3A_92 = arith.constant 0 : i32
      %dma_wait3A_93 = tpu.memref_slice %dma_wait3A_91[%multiple_of3A, %dma_wait3A_92] : memref<10000x128xf32, #tpu.memory_space<hbm>> -> memref<624x128xf32, #tpu.memory_space<hbm>>
      %dma_wait3A_94 = arith.constant 0 : i32
      %dma_wait3A_95 = tpu.memref_slice %arg12[%multiple_of3A, %dma_wait3A_94] : memref<10000x128xf32, #tpu.memory_space<vmem_shared>> -> memref<624x128xf32, #tpu.memory_space<vmem_shared>>
      tpu.wait_dma2 semaphore(%run_scoped3A : memref<!tpu.dma_semaphore, #tpu.memory_space<semaphore_mem>>) src(%dma_wait3A_95 : memref<624x128xf32, #tpu.memory_space<vmem_shared>>) dst(%dma_wait3A_93 : memref<624x128xf32, #tpu.memory_space<hbm>>)
      tpu.yield
    }) : () -> ()
    %eq3A_76 = arith.constant 15 : i32
    %eq3A_77 = arith.cmpi eq, %arg1, %eq3A_76 : i32
    %convert_element_type3A_78 = arith.extui %eq3A_77 : i1 to i32
    %cond3A_79 = arith.constant 0 : i32
    %cond3A_80 = arith.cmpi ne, %convert_element_type3A_78, %cond3A_79 : i32
    scf.if %cond3A_80 {
      %multiple_of3A_81 = arith.constant 9984 : i32
      %multiple_of3A_82 = tpu.assume_multiple %multiple_of3A_81, 8 : i32
      "tpu.region"() ({
        %run_scoped3A = tpu.sem_alloc : memref<!tpu.dma_semaphore, #tpu.memory_space<semaphore_mem>>
        %dma_start3A_83 = arith.constant 0 : i32
        %dma_start3A_84 = arith.constant 0 : i32
        %dma_start3A_85 = tpu.memref_slice %arg4[%arg0, %dma_start3A_83, %dma_start3A_84] : memref<2x10000x128xf32, #tpu.memory_space<hbm>> -> memref<1x10000x128xf32, #tpu.memory_space<hbm>>
        %dma_start3A_86 = tpu.memref_squeeze %dma_start3A_85 : memref<1x10000x128xf32, #tpu.memory_space<hbm>> -> memref<10000x128xf32, #tpu.memory_space<hbm>>
        %dma_start3A_87 = arith.constant 0 : i32
        %dma_start3A_88 = tpu.memref_slice %dma_start3A_86[%multiple_of3A_82, %dma_start3A_87] : memref<10000x128xf32, #tpu.memory_space<hbm>> -> memref<16x128xf32, #tpu.memory_space<hbm>>
        %dma_start3A_89 = arith.constant 0 : i32
        %dma_start3A_90 = tpu.memref_slice %arg12[%multiple_of3A_82, %dma_start3A_89] : memref<10000x128xf32, #tpu.memory_space<vmem_shared>> -> memref<16x128xf32, #tpu.memory_space<vmem_shared>>
        tpu.enqueue_dma source(%dma_start3A_90 : memref<16x128xf32, #tpu.memory_space<vmem_shared>>) target(%dma_start3A_88 : memref<16x128xf32, #tpu.memory_space<hbm>>) target_semaphore(%run_scoped3A : memref<!tpu.dma_semaphore, #tpu.memory_space<semaphore_mem>>)
        %dma_wait3A = arith.constant 0 : i32
        %dma_wait3A_91 = arith.constant 0 : i32
        %dma_wait3A_92 = tpu.memref_slice %arg4[%arg0, %dma_wait3A, %dma_wait3A_91] : memref<2x10000x128xf32, #tpu.memory_space<hbm>> -> memref<1x10000x128xf32, #tpu.memory_space<hbm>>
        %dma_wait3A_93 = tpu.memref_squeeze %dma_wait3A_92 : memref<1x10000x128xf32, #tpu.memory_space<hbm>> -> memref<10000x128xf32, #tpu.memory_space<hbm>>
        %dma_wait3A_94 = arith.constant 0 : i32
        %dma_wait3A_95 = tpu.memref_slice %dma_wait3A_93[%multiple_of3A_82, %dma_wait3A_94] : memref<10000x128xf32, #tpu.memory_space<hbm>> -> memref<16x128xf32, #tpu.memory_space<hbm>>
        %dma_wait3A_96 = arith.constant 0 : i32
        %dma_wait3A_97 = tpu.memref_slice %arg12[%multiple_of3A_82, %dma_wait3A_96] : memref<10000x128xf32, #tpu.memory_space<vmem_shared>> -> memref<16x128xf32, #tpu.memory_space<vmem_shared>>
        tpu.wait_dma2 semaphore(%run_scoped3A : memref<!tpu.dma_semaphore, #tpu.memory_space<semaphore_mem>>) src(%dma_wait3A_97 : memref<16x128xf32, #tpu.memory_space<vmem_shared>>) dst(%dma_wait3A_95 : memref<16x128xf32, #tpu.memory_space<hbm>>)
        tpu.yield
      }) : () -> ()
    } else {
    }
    return
  }
}

module attributes {stable_mosaic.version = 14 : i64} {
  func.func @_z_body(%arg0: i32, %arg1: memref<16000x128xf32, #tpu.memory_space<vmem>>, %arg2: memref<128x256xbf16, #tpu.memory_space<vmem>>, %arg3: memref<1x256xf32, #tpu.memory_space<vmem>>, %arg4: memref<256x128xbf16, #tpu.memory_space<vmem>>, %arg5: memref<16000x128xf32, #tpu.memory_space<vmem>>) attributes {dimension_semantics = [#tpu.dimension_semantics<arbitrary>], iteration_bounds = array<i64: 10>, scalar_prefetch = 0 : i64, scratch_operands = 0 : i64, tpu.core_type = #tpu.core_type<tc>, window_params = [{transform_indices = @transform_0, window_bounds = array<i64: 16000, 128>}, {pipeline_mode = #tpu.pipeline_mode<synchronous>, transform_indices = @transform_1, window_bounds = array<i64: 128, 256>}, {pipeline_mode = #tpu.pipeline_mode<synchronous>, transform_indices = @transform_2, window_bounds = array<i64: 1, 256>}, {pipeline_mode = #tpu.pipeline_mode<synchronous>, transform_indices = @transform_3, window_bounds = array<i64: 256, 128>}, {transform_indices = @transform_4, window_bounds = array<i64: 16000, 128>}]} {
    %get3A = arith.constant 0 : index
    %get3A_0 = arith.constant 0 : index
    %get3A_1 = vector.load %arg1[%get3A, %get3A_0] : memref<16000x128xf32, #tpu.memory_space<vmem>>, vector<16000x128xf32>
    %convert_element_type3A = arith.truncf %get3A_1 : vector<16000x128xf32> to vector<16000x128xbf16>
    %get3A_2 = arith.constant 0 : index
    %get3A_3 = arith.constant 0 : index
    %get3A_4 = vector.load %arg2[%get3A_2, %get3A_3] : memref<128x256xbf16, #tpu.memory_space<vmem>>, vector<128x256xbf16>
    %dot_general3A = arith.constant dense<0.000000e+00> : vector<16000x256xf32>
    %dot_general3A_5 = tpu.matmul %convert_element_type3A, %get3A_4, %dot_general3A {dimension_numbers = #tpu.dot_dimension_numbers<[1], [0], [0], [1], [0, 0, 1, 1], [], []>, transpose_lhs_hint = false} : vector<16000x128xbf16>, vector<128x256xbf16>, vector<16000x256xf32> -> vector<16000x256xf32>
    %get3A_6 = arith.constant 0 : index
    %get3A_7 = arith.constant 0 : index
    %get3A_8 = vector.load %arg3[%get3A_6, %get3A_7] : memref<1x256xf32, #tpu.memory_space<vmem>>, vector<1x256xf32>
    %add3A = vector.broadcast %get3A_8 : vector<1x256xf32> to vector<16000x256xf32>
    %add3A_9 = arith.addf %dot_general3A_5, %add3A : vector<16000x256xf32>
    %tanh3A = math.tanh %add3A_9 : vector<16000x256xf32>
    %convert_element_type3A_10 = arith.truncf %tanh3A : vector<16000x256xf32> to vector<16000x256xbf16>
    %get3A_11 = arith.constant 0 : index
    %get3A_12 = arith.constant 0 : index
    %get3A_13 = vector.load %arg4[%get3A_11, %get3A_12] : memref<256x128xbf16, #tpu.memory_space<vmem>>, vector<256x128xbf16>
    %dot_general3A_14 = arith.constant dense<0.000000e+00> : vector<16000x128xf32>
    %dot_general3A_15 = tpu.matmul %convert_element_type3A_10, %get3A_13, %dot_general3A_14 {dimension_numbers = #tpu.dot_dimension_numbers<[1], [0], [0], [1], [0, 0, 1, 1], [], []>, transpose_lhs_hint = false} : vector<16000x256xbf16>, vector<256x128xbf16>, vector<16000x128xf32> -> vector<16000x128xf32>
    %swap3A = arith.constant 0 : index
    %swap3A_16 = arith.constant 0 : index
    %swap3A_17 = vector.load %arg5[%swap3A, %swap3A_16] : memref<16000x128xf32, #tpu.memory_space<vmem>>, vector<16000x128xf32>
    tpu.vector_store %arg5[%swap3A, %swap3A_16], %dot_general3A_15 {strides = array<i32>} : memref<16000x128xf32, #tpu.memory_space<vmem>>, vector<16000x128xf32>,
    return
  }
  func.func @transform_0(%arg0: i32) -> (i32, i32) {
    %add3A = arith.constant 0 : i32
    %add3A_0 = arith.addi %arg0, %add3A : i32
    %c0_i32 = arith.constant 0 : i32
    %c0_i32_1 = arith.constant 0 : i32
    return %add3A_0, %c0_i32 : i32, i32
  }
  func.func @transform_1(%arg0: i32) -> (i32, i32) {
    %c0_i32 = arith.constant 0 : i32
    %c0_i32_0 = arith.constant 0 : i32
    %c0_i32_1 = arith.constant 0 : i32
    return %c0_i32, %c0_i32_0 : i32, i32
  }
  func.func @transform_2(%arg0: i32) -> (i32, i32) {
    %c0_i32 = arith.constant 0 : i32
    %c0_i32_0 = arith.constant 0 : i32
    %c0_i32_1 = arith.constant 0 : i32
    return %c0_i32, %c0_i32_0 : i32, i32
  }
  func.func @transform_3(%arg0: i32) -> (i32, i32) {
    %c0_i32 = arith.constant 0 : i32
    %c0_i32_0 = arith.constant 0 : i32
    %c0_i32_1 = arith.constant 0 : i32
    return %c0_i32, %c0_i32_0 : i32, i32
  }
  func.func @transform_4(%arg0: i32) -> (i32, i32) {
    %c0_i32 = arith.constant 0 : i32
    %c0_i32_0 = arith.constant 0 : i32
    return %arg0, %c0_i32 : i32, i32
  }
}

module attributes {stable_mosaic.version = 14 : i64} {
  func.func @_z_body(%arg0: i32, %arg1: memref<16000x128xf32, #tpu.memory_space<vmem>>, %arg2: memref<128x256xbf16, #tpu.memory_space<vmem>>, %arg3: memref<1x256xf32, #tpu.memory_space<vmem>>, %arg4: memref<256x128xbf16, #tpu.memory_space<vmem>>, %arg5: memref<16000x128xf32, #tpu.memory_space<vmem>>) attributes {dimension_semantics = [#tpu.dimension_semantics<arbitrary>], iteration_bounds = array<i64: 10>, scalar_prefetch = 0 : i64, scratch_operands = 0 : i64, tpu.core_type = #tpu.core_type<tc>, window_params = [{transform_indices = @transform_0, window_bounds = array<i64: 16000, 128>}, {pipeline_mode = #tpu.pipeline_mode<synchronous>, transform_indices = @transform_1, window_bounds = array<i64: 128, 256>}, {pipeline_mode = #tpu.pipeline_mode<synchronous>, transform_indices = @transform_2, window_bounds = array<i64: 1, 256>}, {pipeline_mode = #tpu.pipeline_mode<synchronous>, transform_indices = @transform_3, window_bounds = array<i64: 256, 128>}, {transform_indices = @transform_4, window_bounds = array<i64: 16000, 128>}]} {
    %get3A = arith.constant 0 : index
    %get3A_0 = arith.constant 0 : index
    %get3A_1 = vector.load %arg1[%get3A, %get3A_0] : memref<16000x128xf32, #tpu.memory_space<vmem>>, vector<16000x128xf32>
    %convert_element_type3A = arith.truncf %get3A_1 : vector<16000x128xf32> to vector<16000x128xbf16>
    %get3A_2 = arith.constant 0 : index
    %get3A_3 = arith.constant 0 : index
    %get3A_4 = vector.load %arg2[%get3A_2, %get3A_3] : memref<128x256xbf16, #tpu.memory_space<vmem>>, vector<128x256xbf16>
    %dot_general3A = arith.constant dense<0.000000e+00> : vector<16000x256xf32>
    %dot_general3A_5 = tpu.matmul %convert_element_type3A, %get3A_4, %dot_general3A {dimension_numbers = #tpu.dot_dimension_numbers<[1], [0], [0], [1], [0, 0, 1, 1], [], []>, transpose_lhs_hint = false} : vector<16000x128xbf16>, vector<128x256xbf16>, vector<16000x256xf32> -> vector<16000x256xf32>
    %get3A_6 = arith.constant 0 : index
    %get3A_7 = arith.constant 0 : index
    %get3A_8 = vector.load %arg3[%get3A_6, %get3A_7] : memref<1x256xf32, #tpu.memory_space<vmem>>, vector<1x256xf32>
    %add3A = vector.broadcast %get3A_8 : vector<1x256xf32> to vector<16000x256xf32>
    %add3A_9 = arith.addf %dot_general3A_5, %add3A : vector<16000x256xf32>
    %tanh3A = math.tanh %add3A_9 : vector<16000x256xf32>
    %convert_element_type3A_10 = arith.truncf %tanh3A : vector<16000x256xf32> to vector<16000x256xbf16>
    %get3A_11 = arith.constant 0 : index
    %get3A_12 = arith.constant 0 : index
    %get3A_13 = vector.load %arg4[%get3A_11, %get3A_12] : memref<256x128xbf16, #tpu.memory_space<vmem>>, vector<256x128xbf16>
    %dot_general3A_14 = arith.constant dense<0.000000e+00> : vector<16000x128xf32>
    %dot_general3A_15 = tpu.matmul %convert_element_type3A_10, %get3A_13, %dot_general3A_14 {dimension_numbers = #tpu.dot_dimension_numbers<[1], [0], [0], [1], [0, 0, 1, 1], [], []>, transpose_lhs_hint = false} : vector<16000x256xbf16>, vector<256x128xbf16>, vector<16000x128xf32> -> vector<16000x128xf32>
    %swap3A = arith.constant 0 : index
    %swap3A_16 = arith.constant 0 : index
    %swap3A_17 = vector.load %arg5[%swap3A, %swap3A_16] : memref<16000x128xf32, #tpu.memory_space<vmem>>, vector<16000x128xf32>
    tpu.vector_store %arg5[%swap3A, %swap3A_16], %dot_general3A_15 {strides = array<i32>} : memref<16000x128xf32, #tpu.memory_space<vmem>>, vector<16000x128xf32>,
    return
  }
  func.func @transform_0(%arg0: i32) -> (i32, i32) {
    %add3A = arith.constant 10 : i32
    %add3A_0 = arith.addi %arg0, %add3A : i32
    %c0_i32 = arith.constant 0 : i32
    %c0_i32_1 = arith.constant 0 : i32
    return %add3A_0, %c0_i32 : i32, i32
  }
  func.func @transform_1(%arg0: i32) -> (i32, i32) {
    %c0_i32 = arith.constant 0 : i32
    %c0_i32_0 = arith.constant 0 : i32
    %c0_i32_1 = arith.constant 0 : i32
    return %c0_i32, %c0_i32_0 : i32, i32
  }
  func.func @transform_2(%arg0: i32) -> (i32, i32) {
    %c0_i32 = arith.constant 0 : i32
    %c0_i32_0 = arith.constant 0 : i32
    %c0_i32_1 = arith.constant 0 : i32
    return %c0_i32, %c0_i32_0 : i32, i32
  }
  func.func @transform_3(%arg0: i32) -> (i32, i32) {
    %c0_i32 = arith.constant 0 : i32
    %c0_i32_0 = arith.constant 0 : i32
    %c0_i32_1 = arith.constant 0 : i32
    return %c0_i32, %c0_i32_0 : i32, i32
  }
  func.func @transform_4(%arg0: i32) -> (i32, i32) {
    %c0_i32 = arith.constant 0 : i32
    %c0_i32_0 = arith.constant 0 : i32
    return %arg0, %c0_i32 : i32, i32
  }
}

module attributes {stable_mosaic.version = 14 : i64} {
  func.func @_combine1_body(%arg0: i32, %arg1: memref<2x1000x128xf32, #tpu.memory_space<vmem>>, %arg2: memref<1x128xf32, #tpu.memory_space<vmem>>, %arg3: memref<1000x128xf32, #tpu.memory_space<vmem>>) attributes {dimension_semantics = [#tpu.dimension_semantics<arbitrary>], iteration_bounds = array<i64: 10>, scalar_prefetch = 0 : i64, scratch_operands = 0 : i64, tpu.core_type = #tpu.core_type<tc>, window_params = [{transform_indices = @transform_0, window_bounds = array<i64: 2, 1000, 128>}, {pipeline_mode = #tpu.pipeline_mode<synchronous>, transform_indices = @transform_1, window_bounds = array<i64: 1, 128>}, {transform_indices = @transform_2, window_bounds = array<i64: 1000, 128>}]} {
    %get3A = arith.constant 0 : index
    %get3A_0 = arith.constant 0 : index
    %get3A_1 = arith.constant 0 : index
    %get3A_2 = vector.load %arg1[%get3A, %get3A_0, %get3A_1] : memref<2x1000x128xf32, #tpu.memory_space<vmem>>, vector<1x1000x128xf32>
    %get3A_3 = vector.shape_cast %get3A_2 : vector<1x1000x128xf32> to vector<1000x128xf32>
    %get3A_4 = arith.constant 1 : index
    %get3A_5 = arith.constant 0 : index
    %get3A_6 = arith.constant 0 : index
    %get3A_7 = vector.load %arg1[%get3A_4, %get3A_5, %get3A_6] : memref<2x1000x128xf32, #tpu.memory_space<vmem>>, vector<1x1000x128xf32>
    %get3A_8 = vector.shape_cast %get3A_7 : vector<1x1000x128xf32> to vector<1000x128xf32>
    %add3A = arith.addf %get3A_3, %get3A_8 : vector<1000x128xf32>
    %get3A_9 = arith.constant 0 : index
    %get3A_10 = arith.constant 0 : index
    %get3A_11 = vector.load %arg2[%get3A_9, %get3A_10] : memref<1x128xf32, #tpu.memory_space<vmem>>, vector<1x128xf32>
    %add3A_12 = vector.broadcast %get3A_11 : vector<1x128xf32> to vector<1000x128xf32>
    %add3A_13 = arith.addf %add3A, %add3A_12 : vector<1000x128xf32>
    %swap3A = arith.constant 0 : index
    %swap3A_14 = arith.constant 0 : index
    %swap3A_15 = vector.load %arg3[%swap3A, %swap3A_14] : memref<1000x128xf32, #tpu.memory_space<vmem>>, vector<1000x128xf32>
    tpu.vector_store %arg3[%swap3A, %swap3A_14], %add3A_13 {strides = array<i32>} : memref<1000x128xf32, #tpu.memory_space<vmem>>, vector<1000x128xf32>,
    return
  }
  func.func @transform_0(%arg0: i32) -> (i32, i32, i32) {
    %c0_i32 = arith.constant 0 : i32
    %c0_i32_0 = arith.constant 0 : i32
    %c0_i32_1 = arith.constant 0 : i32
    return %c0_i32, %arg0, %c0_i32_0 : i32, i32, i32
  }
  func.func @transform_1(%arg0: i32) -> (i32, i32) {
    %c0_i32 = arith.constant 0 : i32
    %c0_i32_0 = arith.constant 0 : i32
    %c0_i32_1 = arith.constant 0 : i32
    return %c0_i32, %c0_i32_0 : i32, i32
  }
  func.func @transform_2(%arg0: i32) -> (i32, i32) {
    %c0_i32 = arith.constant 0 : i32
    %c0_i32_0 = arith.constant 0 : i32
    return %arg0, %c0_i32 : i32, i32
  }
}

module attributes {stable_mosaic.version = 14 : i64} {
  func.func @_combine2_body(%arg0: i32, %arg1: memref<1000x128xf32, #tpu.memory_space<vmem>>, %arg2: memref<2x1000x128xf32, #tpu.memory_space<vmem>>, %arg3: memref<1000x128xf32, #tpu.memory_space<vmem>>) attributes {dimension_semantics = [#tpu.dimension_semantics<arbitrary>], iteration_bounds = array<i64: 10>, scalar_prefetch = 0 : i64, scratch_operands = 0 : i64, tpu.core_type = #tpu.core_type<tc>, window_params = [{transform_indices = @transform_0, window_bounds = array<i64: 1000, 128>}, {transform_indices = @transform_1, window_bounds = array<i64: 2, 1000, 128>}, {transform_indices = @transform_2, window_bounds = array<i64: 1000, 128>}]} {
    %get3A = arith.constant 0 : index
    %get3A_0 = arith.constant 0 : index
    %get3A_1 = vector.load %arg1[%get3A, %get3A_0] : memref<1000x128xf32, #tpu.memory_space<vmem>>, vector<1000x128xf32>
    %get3A_2 = arith.constant 0 : index
    %get3A_3 = arith.constant 0 : index
    %get3A_4 = arith.constant 0 : index
    %get3A_5 = vector.load %arg2[%get3A_2, %get3A_3, %get3A_4] : memref<2x1000x128xf32, #tpu.memory_space<vmem>>, vector<1x1000x128xf32>
    %get3A_6 = vector.shape_cast %get3A_5 : vector<1x1000x128xf32> to vector<1000x128xf32>
    %add3A = arith.addf %get3A_1, %get3A_6 : vector<1000x128xf32>
    %get3A_7 = arith.constant 1 : index
    %get3A_8 = arith.constant 0 : index
    %get3A_9 = arith.constant 0 : index
    %get3A_10 = vector.load %arg2[%get3A_7, %get3A_8, %get3A_9] : memref<2x1000x128xf32, #tpu.memory_space<vmem>>, vector<1x1000x128xf32>
    %get3A_11 = vector.shape_cast %get3A_10 : vector<1x1000x128xf32> to vector<1000x128xf32>
    %add3A_12 = arith.addf %add3A, %get3A_11 : vector<1000x128xf32>
    %swap3A = arith.constant 0 : index
    %swap3A_13 = arith.constant 0 : index
    %swap3A_14 = vector.load %arg3[%swap3A, %swap3A_13] : memref<1000x128xf32, #tpu.memory_space<vmem>>, vector<1000x128xf32>
    tpu.vector_store %arg3[%swap3A, %swap3A_13], %add3A_12 {strides = array<i32>} : memref<1000x128xf32, #tpu.memory_space<vmem>>, vector<1000x128xf32>,
    return
  }
  func.func @transform_0(%arg0: i32) -> (i32, i32) {
    %c0_i32 = arith.constant 0 : i32
    %c0_i32_0 = arith.constant 0 : i32
    return %arg0, %c0_i32 : i32, i32
  }
  func.func @transform_1(%arg0: i32) -> (i32, i32, i32) {
    %c0_i32 = arith.constant 0 : i32
    %c0_i32_0 = arith.constant 0 : i32
    %c0_i32_1 = arith.constant 0 : i32
    return %c0_i32, %arg0, %c0_i32_0 : i32, i32, i32
  }
  func.func @transform_2(%arg0: i32) -> (i32, i32) {
    %c0_i32 = arith.constant 0 : i32
    %c0_i32_0 = arith.constant 0 : i32
    return %arg0, %c0_i32 : i32, i32
  }
}

</mosaic_0001>

<sc_bundles>
// kernel: kernel.11.cloned.1.call-start
scs
__scs_entry_jumppad:
0x0: {  	(pc) =	sbr.rel $0x88, $3  }
0x1: {  	(tag) =	ssettag $0x0;
	lr =	simm.s32 $0x1  }
0x2: {  	[smem:$0x3F9B] =	sst lr;
	_ =	strace $0xD0000000  }
0x3: {  	_ = 	snop  }
0x4: {  	_ = 	snop  }
0x5: {  	_ = 	snop  }
0x6: {  	_ = 	snop  }
0x7: {  	_ = 	snop  }
__scs_overlays_trampoline_lowered:
0x8: {  	[smem:$0x3FAA] =	sst s0  }
0x9: {  	[smem:$0x3FAB] =	sst s1  }
0xa: {  	[smem:$0x3FAC] =	sst s2  }
0xb: {  	[smem:$0x3FAD] =	sst s3  }
0xc: {  	[smem:$0x3FAE] =	sst s4  }
0xd: {  	[smem:$0x3FAF] =	sst s5  }
0xe: {  	[smem:$0x3FB0] =	sst s6  }
0xf: {  	[smem:$0x3FB1] =	sst s7  }
0x10: {  	[smem:$0x3FB2] =	sst s8  }
0x11: {  	[smem:$0x3FB3] =	sst s9;
	s0 =	simm.s32 @!p0 $0x0  }
0x12: {  	s1 =	sld [smem:$0x3F99];
	s0 =	simm.s32 @p0 $0x1  }
0x13: {  	[smem:$0x3FB4] =	sst s0;
	s0 =	simm.s32 @!p1 $0x0  }
0x14: {  	s2 =	sld [smem:$0x3F98];
	s0 =	simm.s32 @p1 $0x1  }
0x15: {  	[smem:$0x3FB5] =	sst s0;
	s0 =	simm.s32 @!p2 $0x0  }
0x16: {  	s3 =	sld [smem:$0x3FDB];
	s0 =	simm.s32 @p2 $0x1  }
0x17: {  	s4 =	simm.s32 $0x1BF5;
	[smem:$0x3FB7] =	sst s0  }
0x18: {  	s0 =	sld [smem:$0x3F9A];
	_ =	swait.ge [sflag:s4], $0x0  }
0x19: {  	s7 =	sld [smem:$0x3F9B]  }
0x1a: {  	s8 =	sadd.s32 $0xFFFFE003, lr  }
0x1b: {  	s9 =	sadd.s32 $0xFFFFFEF7, lr;
	s5 =	simm.s32 $0xFFFFFFFF;
	p2 =	slt.u32 s8, $0xFFFFF086  }
0x1c: {  	p1 =	slt.u32 s9, $0xF7A;
	s5 =	simm.s32 @!p2 $0x0  }
0x1d: {  	s5 =	simm.s32 @p1 $0x1;
	p0 =	seq.s32 s7, s2  }
0x1e: {  	s7 =	smul.u32 @!p0 $0xF7A, s2;
	p2 =	seq.s32 @!p0 s5, $0x0  }
0x1f: {  	s9 =	smul.u32 $0xF7A, s1;
	s8 =	simm.s32 @!p0 $0x1BF5;
	p2 =	por !p2, p0  }
0x20: {  	[sflag:s8] =	ssyncset.s32 @!p0 $0xFFFFF086;
	s6 =	sadd.s32 @!p0 s3, s7;
	s7 =	simm.s32 @!p0 $0x108  }
0x21: {  	s3 =	sadd.s32 s3, s9;
	s6 =	sadd.s32 @!p0 $0x88, s6;
	s7 =	simm.s32 @p2 $0x1082  }
0x22: {  	[simem:s7], [sflag:s8] =	dma.local @!p0 [hbm:s6], $0xF7A  }
0x23: {  	s9 =	sor.u32 $0xD0000000, s2;
	s6 =	simm.s32 $0x108;
	_ =	swait.ge @!p0 [sflag:s8], $0x0  }
0x24: {  	s3 =	sadd.s32 $0x88, s3;
	s6 =	simm.s32 @!p1 $0x1082;
	[sflag:s4] =	ssyncset.s32 $0xFFFFF086  }
0x25: {  	[simem:s6], [sflag:s4] =	dma.local [hbm:s3], $0xF7A  }
0x26: {  	[smem:$0x3F9B] =	sst s1;
	(tag) =	ssettag s2;
	_ =	strace s9  }
0x27: {  	s1 =	sld [smem:$0x3FAB]  }
0x28: {  	s2 =	sld [smem:$0x3FAC]  }
0x29: {  	s4 =	sld [smem:$0x3FAE]  }
0x2a: {  	p0 =	seq.s32 s5, $0x0;
	s5 =	sld [smem:$0x3FAF]  }
0x2b: {  	s6 =	sld [smem:$0x3FB0]  }
0x2c: {  	s7 =	sld [smem:$0x3FB1]  }
0x2d: {  	s3 =	simm.s32 $0x108;
	s8 =	sld [smem:$0x3FB2]  }
0x2e: {  	s3 =	simm.s32 @!p0 $0x1082;
	s9 =	sld [smem:$0x3FB3]  }
0x2f: {  	lr =	sadd.s32 s0, s3;
	s0 =	sld [smem:$0x3FAA]  }
0x30: {  	s3 =	sld [smem:$0x3FAD]  }
0x31: {  	[smem:$0x3FB6] =	sst s10  }
0x32: {  	s10 =	sld [smem:$0x3FB4];
	_ =	sdelay $0x3  }
0x33: {  	p0 =	seq.s32 s10, $0x1;
	s10 =	sld [smem:$0x3FB6];
	_ =	sdelay $0x3  }
0x34: {  	[smem:$0x3FB6] =	sst s10  }
0x35: {  	s10 =	sld [smem:$0x3FB5];
	_ =	sdelay $0x3  }
0x36: {  	p1 =	seq.s32 s10, $0x1;
	s10 =	sld [smem:$0x3FB6];
	_ =	sdelay $0x3  }
0x37: {  	[smem:$0x3FB6] =	sst s10  }
0x38: {  	s10 =	sld [smem:$0x3FB7]  }
0x39: {  	_ = 	snop;
	(pc) =	sbr.ind lr, $3  }
0x3a: {  	_ = 	snop  }
0x3b: {  	_ = 	snop  }
0x3c: {  	p2 =	seq.s32 s10, $0x1;
	s10 =	sld [smem:$0x3FB6]  }
0x3d: {  	_ =	shalt  }
0x3e: {  	_ =	shalt  }
0x3f: {  	_ =	shalt  }
0x40: {  	_ =	shalt  }
0x41: {  	_ =	shalt  }
0x42: {  	_ =	shalt  }
0x43: {  	_ =	shalt  }
0x44: {  	_ =	shalt  }
0x45: {  	_ =	shalt  }
0x46: {  	_ =	shalt  }
0x47: {  	_ =	shalt  }
0x48: {  	_ =	shalt  }
0x49: {  	_ =	shalt  }
0x4a: {  	_ =	shalt  }
0x4b: {  	_ =	shalt  }
0x4c: {  	_ =	shalt  }
0x4d: {  	_ =	shalt  }
0x4e: {  	_ =	shalt  }
0x4f: {  	_ =	shalt  }
0x50: {  	_ =	shalt  }
0x51: {  	_ =	shalt  }
0x52: {  	_ =	shalt  }
0x53: {  	_ =	shalt  }
0x54: {  	_ =	shalt  }
0x55: {  	_ =	shalt  }
0x56: {  	_ =	shalt  }
0x57: {  	_ =	shalt  }
0x58: {  	_ =	shalt  }
0x59: {  	_ =	shalt  }
0x5a: {  	_ =	shalt  }
0x5b: {  	_ =	shalt  }
0x5c: {  	_ =	shalt  }
0x5d: {  	_ =	shalt  }
0x5e: {  	_ =	shalt  }
0x5f: {  	_ =	shalt  }
0x60: {  	_ =	shalt  }
0x61: {  	_ =	shalt  }
0x62: {  	_ =	shalt  }
0x63: {  	_ =	shalt  }
0x64: {  	_ =	shalt  }
0x65: {  	_ =	shalt  }
0x66: {  	_ =	shalt  }
0x67: {  	_ =	shalt  }
0x68: {  	_ =	shalt  }
0x69: {  	_ =	shalt  }
0x6a: {  	_ =	shalt  }
0x6b: {  	_ =	shalt  }
0x6c: {  	_ =	shalt  }
0x6d: {  	_ =	shalt  }
0x6e: {  	_ =	shalt  }
0x6f: {  	_ =	shalt  }
0x70: {  	_ =	shalt  }
0x71: {  	_ =	shalt  }
0x72: {  	_ =	shalt  }
0x73: {  	_ =	shalt  }
0x74: {  	_ =	shalt  }
0x75: {  	_ =	shalt  }
0x76: {  	_ =	shalt  }
0x77: {  	_ =	shalt  }
0x78: {  	_ =	shalt  }
0x79: {  	_ =	shalt  }
0x7a: {  	_ =	shalt  }
0x7b: {  	_ =	shalt  }
0x7c: {  	_ =	shalt  }
0x7d: {  	_ =	shalt  }
0x7e: {  	_ =	shalt  }
0x7f: {  	_ =	shalt  }
0x80: {  	_ =	shalt  }
0x81: {  	_ =	shalt  }
0x82: {  	_ =	shalt  }
0x83: {  	_ =	shalt  }
0x84: {  	_ =	shalt  }
0x85: {  	_ =	shalt  }
0x86: {  	_ =	shalt  }
0x87: {  	_ =	shalt  }
.Lfunc_end0:
.L_simem_size_0:
called_computation.1_lowered:
.L_overlay_start_0:
0x88: {  	s2 =	sld [smem:$0x3FD9]  }
0x89: {  	s3 =	sld [smem:$0x3FFE];
	_ =	sdelay $0x1  }
0x8a: {  	s1 =	srdreg.scid  }
0x8b: {  	s0 =	sand.u32 $0x1, s1  }
0x8c: {  	s17 =	sshll.u32 s0, $0xA;
	s2 =	sadd.s32 s3, s2  }
0x8d: {  	s2 =	sadd.s32 s2, s17  }
0x8e: {  	[smem:$0x3FC2] =	sst s2  }
0x8f: {  	_ = 	snop  }
0x90: {  	s18 =	sld [smem:$0x3FC8];
	(tm) =	ssettm $0x1  }
0x91: {  	s19 =	sld [smem:$0x3FFB];
	_ =	sdelay $0x3  }
0x92: {  	_ =	strace s19  }
0x93: {  	s2 =	sld [smem:$0x3FFC];
	_ =	sdelay $0x3  }
0x94: {  	_ =	strace s2  }
0x95: {  	s2 =	sld [smem:$0x3FFD];
	_ =	sdelay $0x3  }
0x96: {  	_ =	strace s2  }
0x97: {  	_ =	strace $0x8FFFFFFF  }
0x98: {  	s20 =	sld [smem:$0x3FDB];
	_ =	sdelay $0x1  }
0x99: {  	s4 =	simm.s32 $_scs_section_size  }
0x9a: {  	s5 =	simm.s32 $_size__tile_overlayer_lowered;
	s6 =	simm.s32 $_tile_overlayer_lowered  }
0x9b: {  	s7 =	simm.s32 $0x1BFF;
	s21 =	sshll.u32 s6, $0x1;
	s4 =	sadd.s32 s4, s20  }
0x9c: {  	s22 =	simm.s32 $0x0;
	s5 =	sshll.u32 s5, $0x1;
	s6 =	sadd.s32 s21, s4  }
0x9d: {  	[timem:s22], [sflag:s7] =	dma.local [hbm:s6], s5  }
0x9e: {  	_ =	swait.ge [sflag:s7], s5  }
0x9f: {  	s5 =	ssub.s32 $0x0, s5;
	[sflag:s7] =	ssyncset.done $0x0  }
0xa0: {  	[sflag:s7] =	ssyncadd.s32 s5;
	_ =	sdelay $0x1  }
0xa1: {  	s23 =	simm.s32 $0x1B8B  }
0xa2: {  	_ =	swait.ge [sflag:s23], $0x1  }
0xa3: {  	[sflag:s23] =	ssyncset.done $0x0  }
0xa4: {  	[sflag:s23] =	ssyncadd.s32 $0xFFFFFFFF  }
0xa5: {  	s5 =	sld [smem:$0x0]  }
0xa6: {  	s6 =	sand.u32 $0xFFFFFFFE, s1  }
0xa7: {  	p0 =	sne.s32 s1, s6  }
0xa8: {  	s6 =	sshll.u32 @p0 s6, $0xE  }
0xa9: {  	s6 =	sadd.s32 @p0 $0x11B8D, s6;
	s7 =	sshll.u32 @p0 s5, $0x11  }
0xaa: {  	s6 =	sor.u32 @p0 s7, s6  }
0xab: {  	[sflag:s6] =	ssyncadd.remote.s32 @p0 $0x1;
	_ =	sdelay $0x1  }
0xac: {  	s6 =	simm.s32 @p0 $0x1B8D  }
0xad: {  	_ =	swait.eq @p0 [sflag:s6], $0x1  }
0xae: {  	[sflag:s6] =	ssyncadd.s32 @p0 $0xFFFFFFFF  }
0xaf: {  	s7 =	sshll.u32 @!p0 s1, $0xE  }
0xb0: {  	s7 =	sor.u32 @!p0 $0x4000, s7;
	s6 =	simm.s32 @!p0 $0x1B8D  }
0xb1: {  	s5 =	sshll.u32 @!p0 s5, $0x11;
	s7 =	sadd.s32 @!p0 $0x11B8D, s7;
	_ =	swait.eq @!p0 [sflag:s6], $0x1  }
0xb2: {  	s5 =	sor.u32 @!p0 s5, s7;
	[sflag:s6] =	ssyncadd.s32 @!p0 $0xFFFFFFFF  }
0xb3: {  	s25 =	simm.s32 $0x1B8E;
	s24 =	sld [smem:$0x3FFE];
	[sflag:s5] =	ssyncadd.remote.s32 @!p0 $0x1  }
0xb4: {  	s26 =	simm.s32 $execute0_lowered;
	[smem:$0x3FD2] =	sst s25  }
0xb5: {  	s6 =	sshll.u32 s26, $0x1;
	_ =	strace $0x80000049;
	[dreg:$0x1] =	wrdreg $0xFFFFFFFF  }
0xb6: {  	s28 =	simm.s32 $_size_execute0_lowered;
	s4 =	sadd.s32 s4, s6;
	[dreg:$0x0] =	wrdreg $0x0  }
0xb7: {  	s6 =	sshll.u32 s28, $0x1;
	[dreg:$0x2] =	wrdreg s4  }
0xb8: {  	[dreg:$0x3] =	wrdreg s6  }
0xb9: {  	[dreg:$0x4] =	wrdreg $0xC0  }
0xba: {  	_ =	task [dreg:s22], $0x5FFFF  }
0xbb: {  	[dreg:$0x1] =	wrdreg $0xFFFFFFFF  }
0xbc: {  	[dreg:$0x0] =	wrdreg $0x60  }
0xbd: {  	[dreg:$0x2] =	wrdreg s24  }
0xbe: {  	[dreg:$0x3] =	wrdreg s18  }
0xbf: {  	[dreg:$0x4] =	wrdreg $0xC2000  }
0xc0: {  	[dreg:$0x5] =	wrdreg $0xA  }
0xc1: {  	_ =	task.clear_ibuf [dreg:s22], $0x6FFFF;
	_ =	strace $0x90000049  }
0xc2: {  	s29 =	simm.s32 $0xA;
	_ =	strace $0x8000004B  }
0xc3: {  	_ =	swait.ge [sflag:s29], $0x1  }
0xc4: {  	[sflag:s29] =	ssyncadd.s32 $0xFFFFFFFF  }
0xc5: {  	_ =	strace $0x9000004B  }
0xc6: {  	_ =	sfence  }
0xc7: {  	s30 =	sld [smem:$0x0];
	_ =	sdelay $0x2  }
0xc8: {  	s31 =	sshll.u32 s1, $0xD;
	s1 =	sshrl.u32 s1, $0x2  }
0xc9: {  	s4 =	sand.u32 $0x4000, s31;
	s1 =	sadd.s32 s1, s30  }
0xca: {  	s0 =	sor.u32 s4, s0;
	s1 =	sshll.u32 s1, $0x11  }
0xcb: {  	s0 =	sor.u32 s1, s0  }
0xcc: {  	s0 =	sadd.s32 $0x8F2B, s0  }
0xcd: {  	[sflag:s0] =	ssyncadd.remote.s32 $0x1  }
0xce: {  	_ =	sfence.sel $0xFFFF  }
0xcf: {  	[dreg:$0x0] =	wrdreg $0xFFFFFFFF;
	(pc) =	sbr.abs _section_cstart, $3  }
0xd0: {  	[dreg:$0x1] =	wrdreg $0xFFFFFFFF  }
0xd1: {  	_ =	task.clear_ibuf [dreg:s22], $0x2FFFF;
	_ =	strace $0x9FFFFFFF  }
0xd2: {  	(tm) =	ssettm $0x7FFFFFFF  }
0xd3: {  	_ =	shalt  }
tec
execute0_lowered:
.L_overlay_start_1:
0x0: {  	(tag) =	ssettag $0x1  }
0x1: {  	s0 =	rddreg [dreg:$0x0]  }
0x2: {  	s3 =	rddreg [dreg:$0x1]  }
0x3: {  	s1 =	rddreg [dreg:$0x2];
	s2 =	simm.s32 $0x0;
	s4 =	srdreg.scid  }
0x4: {  	s11 =	stileid.u32;
	s30 =	simm.s32 $0x8000;
	s31 =	simm.s32 $0xC100  }
0x5: {  	s28 =	simm.s32 $0x80;
	s29 =	simm.s32 $0x3;
	s8 =	smul.u32 $0x4E000, s11  }
0x6: {  	[smem:$0x7FF] =	sst s2;
	s5 =	sand.u32 $0x1, s4;
	s14 =	smul.u32 $0x13880, s11  }
0x7: {  	s6 =	sadd.s32 $0x2C0200, s0;
	p0 =	sne.s32 s11, $0xF;
	s4 =	smul.u32 $0x27100, s5  }
0x8: {  	_ =	strace $0x8000004A;
	s7 =	sshll.u32 s5, $0x4;
	s23 =	smul.u32 $0x13880, s5  }
0x9: {  	s15 =	ssub.s32 $0x2, s5;
	s5 =	smul.u32 $0x138800, s5;
	s7 =	sor.u32 s11, s7  }
0xa: {  	s9 =	sshrl.u32 s15, $0x1;
	s8 =	sshrl.u32 s8, $0x2;
	s10 =	smul.u32 $0x1388, s7  }
0xb: {  	s0 =	sadd.s32 s4, s0;
	s4 =	sadd.s32 s8, s1;
	s16 =	smul.u32 $0x13880, s7  }
0xc: {  	s19 =	ssub.s32 s15, s9;
	s7 =	smul.u32 $0x9C400, s7;
	s17 =	sadd.s32 $0x4000, s4  }
0xd: {  	s9 =	sadd.s32 $0x138000, s1;
	s18 =	sadd.s32 $0x8000, s4;
	[dreg:$0x4] =	wrdreg s17  }
0xe: {  	s5 =	sadd.s32 s5, s6;
	s20 =	sadd.s32 $0xC000, s4;
	[dreg:$0x5] =	wrdreg s18  }
0xf: {  	s21 =	sadd.s32 $0x10000, s4;
	s19 =	smax.u32 s19, $0x1;
	[dreg:$0x6] =	wrdreg s20  }
0x10: {  	[dreg:$0x7] =	wrdreg s21;
	s8 =	sadd.s32 s6, s16;
	s22 =	sshrl.u32 s10, $0x3  }
0x11: {  	s7 =	sshrl.u32 s7, $0x3;
	s17 =	smul.u32 $0x1388, s11;
	s18 =	sadd.s32 $0x531200, s0  }
0x12: {  	s21 =	smul.u32 $0x2700, s11;
	[dreg:$0x8] =	wrdreg s8;
	s8 =	sadd.s32 s3, s22  }
0x13: {  	s7 =	sadd.s32 s6, s7;
	s22 =	sadd.s32 s14, s5;
	s5 =	simm.s32 $0x6  }
0x14: {  	s6 =	simm.s32 $0xC180;
	s12 =	sadd.s32 $0x4E20, s8;
	s24 =	sadd.s32 $0x800, s7  }
0x15: {  	s25 =	sadd.s32 $0x4E30, s8;
	s26 =	sadd.s32 $0x1000, s7;
	[dreg:$0x9] =	wrdreg s12  }
0x16: {  	s15 =	sadd.s32 $0x4E40, s8;
	s16 =	sadd.s32 $0x13800, s7;
	[dreg:$0xa] =	wrdreg s24  }
0x17: {  	s10 =	sadd.s32 $0x2800, s22;
	s7 =	simm.s32 $0x0;
	[dreg:$0xb] =	wrdreg s25  }
0x18: {  	[dreg:$0xc] =	wrdreg s26;
	s12 =	sadd.s32 s17, s23;
	s17 =	sadd.s32 $0x5090, s8  }
.Ltmp0:
0x19: {  	s13 =	sadd.s32 $0x27380, s12;
	s23 =	sadd.s32 $0x27300, s12;
	(pc) =	sbr.rel .LBB2_1-.Ltmp0, $4  }
0x1a: {  	s24 =	sadd.s32 $0x27280, s12;
	s0 =	sshrl.u32 s13, $0x3;
	s25 =	sshrl.u32 s23, $0x3  }
0x1b: {  	s26 =	sshrl.u32 s24, $0x3;
	s24 =	simm.s32 $0x7;
	s20 =	sadd.s32 s0, s3  }
0x1c: {  	s22 =	sadd.s32 s25, s3;
	s23 =	sadd.s32 s26, s3;
	s25 =	sadd.s32 s21, s18  }
0x1d: {  	v0 =	vimm.f32 $0.0e+00;
	s26 =	simm.s32 $0xC000;
	s0 =	simm.s32 $0x1;
	s3 =	simm.s32 $0x4  }
.LBB2_6:
0x1e: {  	[tilespmem:s2], [sflag:$0x7] =	stream.linear.gather [hbm4b:s16+s2], $0x400, $0x38;
	[tilespmem:$0x1FA80] =	vst v63  }
0x1f: {  	_ =	swait.ge [sflag:s24], $0x400  }
0x20: {  	[sflag:s24] =	ssyncset.done $0x0  }
0x21: {  	[sflag:s24] =	ssyncadd.s32 $0xFFFFFC00  }
0x22: {  	[tilespmem:s6], [sflag:$0x7] =	stream.linear.gather [hbm4b:s17+s2], $0x8, $0x38;
	[tilespmem:$0x1FA80] =	vst v63  }
0x23: {  	_ =	swait.ge [sflag:s24], $0x8  }
0x24: {  	[sflag:s24] =	ssyncset.done $0x0  }
0x25: {  	s8 =	simm.s32 $0x8;
	[sflag:s24] =	ssyncadd.s32 $0xFFFFFFF8  }
0x26: {  	[spmem:s1] =	stream.indirect.scatter.add.f32 [tilespmem:s2], [sflag:$0x7], $0x80, s6, s8, $0xb8;
	[tilespmem:$0x1FA80] =	vst v63  }
0x27: {  	_ =	swait.ge [sflag:s24], $0x400  }
0x28: {  	s21 =	stileid.u32;
	[sflag:s24] =	ssyncset.done $0x0  }
0x29: {  	s8 =	sshll.u32 s21, $0x6;
	[sflag:s24] =	ssyncadd.s32 $0xFFFFFC00  }
0x2a: {  	s11 =	sshrl.u32 s4, $0x3;
	s8 =	sor.u32 $0x1C07, s8;
	[bflag:$0x0] =	sbarrier.arrive $0xFFFF  }
0x2b: {  	[hbm:s25], [sflag:s8] =	dma.local [spmem:s11], $0x2700  }
0x2c: {  	_ =	swait.ge [sflag:s24], $0x2700  }
0x2d: {  	s12 =	sshrl.u32 @!p0 s9, $0x3;
	s7 =	sadd.s32 $0x1, s7;
	[sflag:s24] =	ssyncset.done $0x0  }
0x2e: {  	p1 =	sne.s32 s7, s19;
	s11 =	sadd.s32 @!p0 $0x27000, s18;
	[sflag:s24] =	ssyncadd.s32 $0xFFFFD900  }
0x2f: {  	[hbm:s11], [sflag:s8] =	dma.local @!p0 [spmem:s12], $0x100  }
.Ltmp1:
0x30: {  	_ = 	snop;
	(pc) =	sbr.rel @!p1 .LBB2_7-.Ltmp1, $4  }
0x31: {  	s8 =	simm.s32 @!p0 $0x7  }
0x32: {  	_ =	swait.ge @!p0 [sflag:s8], $0x100  }
0x33: {  	[sflag:s8] =	ssyncset.done @!p0 $0x0  }
0x34: {  	[sflag:s8] =	ssyncadd.s32 @!p0 $0xFFFFFF00  }
.LBB2_1:
0x35: {  	s8 =	simm.s32 $0x0;
	s21 =	simm.s32 $0x200  }
.LBB2_2:
0x36: {  	p1 =	sne.s32 s21, $0xFE00;
	[tilespmem:s8+$0x70] =	vst v0  }
0x37: {  	[tilespmem:s8+$0x0] =	vst v0  }
0x38: {  	[tilespmem:s8+$0x10] =	vst v0  }
.Ltmp2:
0x39: {  	[tilespmem:s8+$0x20] =	vst v0;
	(pc) =	sbr.rel @p1 .LBB2_2-.Ltmp2, $4  }
0x3a: {  	[tilespmem:s8+$0x30] =	vst v0  }
0x3b: {  	[tilespmem:s8+$0x40] =	vst v0  }
0x3c: {  	[tilespmem:s8+$0x50] =	vst v0  }
0x3d: {  	[tilespmem:s8+$0x60] =	vst v0;
	s8 =	sshra.s32 s21, $0x2;
	s21 =	sadd.s32 $0x200, s21  }
0x3e: {  	[tilespmem:s8+$0x70] =	vst v0  }
0x3f: {  	[tilespmem:s8+$0x0] =	vst v0  }
0x40: {  	[tilespmem:s8+$0x10] =	vst v0  }
0x41: {  	[tilespmem:s8+$0x20] =	vst v0  }
0x42: {  	[tilespmem:s8+$0x30] =	vst v0  }
0x43: {  	[tilespmem:s8+$0x40] =	vst v0  }
0x44: {  	[tilespmem:s8+$0x50] =	vst v0  }
0x45: {  	[tilespmem:s8+$0x60] =	vst v0  }
0x46: {  	[spmem:s4] =	stream.linear.scatter [tilespmem:s2], [sflag:$0x7], $0x4000, $0x38;
	[tilespmem:$0x1FA80] =	vst v63  }
0x47: {  	_ =	swait.ge [sflag:s24], $0x4000  }
0x48: {  	[sflag:s24] =	ssyncset.done $0x0  }
0x49: {  	s21 =	rddreg [dreg:$0x4];
	[sflag:s24] =	ssyncadd.s32 $0xFFFFC000  }
0x4a: {  	[spmem:s21] =	stream.linear.scatter [tilespmem:s2], [sflag:$0x7], $0x4000, $0x38;
	[tilespmem:$0x1FA80] =	vst v63  }
0x4b: {  	_ =	swait.ge [sflag:s24], $0x4000  }
0x4c: {  	[sflag:s24] =	ssyncset.done $0x0  }
0x4d: {  	s11 =	rddreg [dreg:$0x5];
	[sflag:s24] =	ssyncadd.s32 $0xFFFFC000  }
0x4e: {  	[spmem:s11] =	stream.linear.scatter [tilespmem:s2], [sflag:$0x7], $0x4000, $0x38;
	[tilespmem:$0x1FA80] =	vst v63  }
0x4f: {  	_ =	swait.ge [sflag:s24], $0x4000  }
0x50: {  	[sflag:s24] =	ssyncset.done $0x0  }
0x51: {  	s12 =	rddreg [dreg:$0x6];
	[sflag:s24] =	ssyncadd.s32 $0xFFFFC000  }
0x52: {  	[spmem:s12] =	stream.linear.scatter [tilespmem:s2], [sflag:$0x7], $0x4000, $0x38;
	[tilespmem:$0x1FA80] =	vst v63  }
0x53: {  	_ =	swait.ge [sflag:s24], $0x4000  }
0x54: {  	[sflag:s24] =	ssyncset.done $0x0  }
0x55: {  	s13 =	rddreg [dreg:$0x7];
	[sflag:s24] =	ssyncadd.s32 $0xFFFFC000  }
0x56: {  	[spmem:s13] =	stream.linear.scatter [tilespmem:s2], [sflag:$0x7], $0x3800, $0x38;
	[tilespmem:$0x1FA80] =	vst v63  }
0x57: {  	_ =	swait.ge [sflag:s24], $0x3800  }
0x58: {  	[sflag:s24] =	ssyncset.done $0x0  }
0x59: {  	s8 =	simm.s32 @!p0 $0x0;
	[sflag:s24] =	ssyncadd.s32 $0xFFFFC800  }
0x5a: {  	[spmem:s9] =	stream.linear.scatter @!p0 [tilespmem:s8], [sflag:$0x7], $0x800, $0x38;
	[tilespmem:$0x1FA80] =	vst v63  }
0x5b: {  	s8 =	simm.s32 @!p0 $0x7  }
0x5c: {  	_ =	swait.ge @!p0 [sflag:s8], $0x800  }
0x5d: {  	[sflag:s8] =	ssyncset.done @!p0 $0x0  }
0x5e: {  	[sflag:s8] =	ssyncadd.s32 @!p0 $0xFFFFF800  }
0x5f: {  	[bflag:$0x0] =	sbarrier.arrive $0xFFFF  }
0x60: {  	s8 =	simm.s32 $0x0;
	s11 =	rddreg [dreg:$0x8]  }
0x61: {  	[tilespmem:s8], [sflag:$0x1] =	stream.linear.gather [hbm4b:s11+s8], $0x4000, $0x38;
	[tilespmem:$0x1FA80] =	vst v63  }
0x62: {  	s14 =	rddreg [dreg:$0x9]  }
0x63: {  	[tilespmem:s26], [sflag:$0x4] =	stream.linear.gather [hbm4b:s14+s8], $0x80, $0x38;
	[tilespmem:$0x1FA80] =	vst v63  }
0x64: {  	s12 =	simm.s32 $0x4000;
	s21 =	rddreg [dreg:$0xa]  }
0x65: {  	[tilespmem:s12], [sflag:$0x2] =	stream.linear.gather [hbm4b:s21+s8], $0x4000, $0x38;
	[tilespmem:$0x1FA80] =	vst v63  }
0x66: {  	s13 =	rddreg [dreg:$0xb];
	s14 =	simm.s32 $0xC080  }
0x67: {  	[tilespmem:s14], [sflag:$0x5] =	stream.linear.gather [hbm4b:s13+s8], $0x80, $0x38;
	[tilespmem:$0x1FA80] =	vst v63  }
0x68: {  	s21 =	rddreg [dreg:$0xc]  }
0x69: {  	[tilespmem:s30], [sflag:$0x3] =	stream.linear.gather [hbm4b:s21+s8], $0x4000, $0x38;
	[tilespmem:$0x1FA80] =	vst v63  }
0x6a: {  	s21 =	smov.u32 s10  }
0x6b: {  	[tilespmem:s31], [sflag:$0x6] =	stream.linear.gather [hbm4b:s15+s8], $0x80, $0x38;
	[tilespmem:$0x1FA80] =	vst v63  }
.LBB2_4:
0x6c: {  	_ =	swait.ge [sflag:s0], $0x4000  }
0x6d: {  	[sflag:s0] =	ssyncset.done $0x0  }
0x6e: {  	[sflag:s0] =	ssyncadd.s32 $0xFFFFC000  }
0x6f: {  	_ =	swait.ge [sflag:s3], $0x80  }
0x70: {  	[sflag:s3] =	ssyncset.done $0x0  }
0x71: {  	[sflag:s3] =	ssyncadd.s32 $0xFFFFFF80  }
0x72: {  	[spmem:s1] =	stream.indirect.scatter.add.f32 [tilespmem:s2], [sflag:$0x7], $0x80, s26, s28, $0xb8;
	[tilespmem:$0x1FA80] =	vst v63  }
0x73: {  	_ =	swait.ge [sflag:s24], $0x4000  }
0x74: {  	p1 =	seq.s32 s8, $0x240;
	[sflag:s24] =	ssyncset.done $0x0  }
0x75: {  	s11 =	simm.s32 @p1 $0x2;
	[sflag:s24] =	ssyncadd.s32 $0xFFFFC000  }
0x76: {  	_ =	swait.ge @p1 [sflag:s11], $0x4000  }
0x77: {  	[sflag:s11] =	ssyncset.done @p1 $0x0  }
0x78: {  	[sflag:s11] =	ssyncadd.s32 @p1 $0xFFFFC000;
	s11 =	simm.s32 @p1 $0x5  }
0x79: {  	_ =	swait.ge @p1 [sflag:s11], $0x80  }
0x7a: {  	s12 =	simm.s32 @p1 $0xC080;
	[sflag:s11] =	ssyncset.done @p1 $0x0  }
0x7b: {  	s13 =	simm.s32 @p1 $0x4000;
	[sflag:s11] =	ssyncadd.s32 @p1 $0xFFFFFF80;
	s11 =	simm.s32 @p1 $0x80  }
0x7c: {  	[spmem:s1] =	stream.indirect.scatter.add.f32 @p1 [tilespmem:s13], [sflag:$0x7], $0x80, s12, s11, $0xb8;
	[tilespmem:$0x1FA80] =	vst v63  }
0x7d: {  	s11 =	simm.s32 @p1 $0x7  }
0x7e: {  	_ =	swait.ge @p1 [sflag:s11], $0x4000  }
0x7f: {  	[sflag:s11] =	ssyncset.done @p1 $0x0  }
0x80: {  	s12 =	simm.s32 @!p1 $0x0;
	[sflag:s11] =	ssyncadd.s32 @p1 $0xFFFFC000;
	s11 =	sadd.s32 @!p1 $0xFFFFF000, s21  }
0x81: {  	[tilespmem:s12], [sflag:$0x1] =	stream.linear.gather @!p1 [hbm4b:s11+s12], $0x4000, $0x38;
	[tilespmem:$0x1FA80] =	vst v63  }
0x82: {  	s13 =	simm.s32 @!p1 $0xC000;
	s11 =	sadd.s32 @!p1 s8, s23  }
0x83: {  	[tilespmem:s13], [sflag:$0x4] =	stream.linear.gather @!p1 [hbm4b:s11+s12], $0x80, $0x38;
	[tilespmem:$0x1FA80] =	vst v63  }
0x84: {  	s11 =	simm.s32 @!p1 $0x2  }
0x85: {  	_ =	swait.ge @!p1 [sflag:s11], $0x4000  }
0x86: {  	[sflag:s11] =	ssyncset.done @!p1 $0x0  }
0x87: {  	[sflag:s11] =	ssyncadd.s32 @!p1 $0xFFFFC000;
	s11 =	simm.s32 @!p1 $0x5  }
0x88: {  	_ =	swait.ge @!p1 [sflag:s11], $0x80  }
0x89: {  	s14 =	simm.s32 @!p1 $0x4000;
	[sflag:s11] =	ssyncset.done @!p1 $0x0  }
0x8a: {  	s13 =	simm.s32 @!p1 $0xC080;
	[sflag:s11] =	ssyncadd.s32 @!p1 $0xFFFFFF80;
	s11 =	simm.s32 @!p1 $0x80  }
0x8b: {  	[spmem:s1] =	stream.indirect.scatter.add.f32 @!p1 [tilespmem:s14], [sflag:$0x7], $0x80, s13, s11, $0xb8;
	[tilespmem:$0x1FA80] =	vst v63  }
0x8c: {  	s11 =	simm.s32 @!p1 $0x7  }
0x8d: {  	_ =	swait.ge @!p1 [sflag:s11], $0x4000  }
0x8e: {  	[sflag:s11] =	ssyncset.done @!p1 $0x0  }
0x8f: {  	[sflag:s11] =	ssyncadd.s32 @!p1 $0xFFFFC000;
	s11 =	sadd.s32 @!p1 $0xFFFFF800, s21  }
0x90: {  	[tilespmem:s14], [sflag:$0x2] =	stream.linear.gather @!p1 [hbm4b:s11+s12], $0x4000, $0x38;
	[tilespmem:$0x1FA80] =	vst v63  }
0x91: {  	s11 =	sadd.s32 @!p1 s8, s22  }
0x92: {  	[tilespmem:s13], [sflag:$0x5] =	stream.linear.gather @!p1 [hbm4b:s11+s12], $0x80, $0x38;
	[tilespmem:$0x1FA80] =	vst v63  }
0x93: {  	_ =	swait.ge [sflag:s29], $0x4000  }
0x94: {  	[sflag:s29] =	ssyncset.done $0x0  }
0x95: {  	[sflag:s29] =	ssyncadd.s32 $0xFFFFC000  }
0x96: {  	_ =	swait.ge [sflag:s5], $0x80  }
0x97: {  	[sflag:s5] =	ssyncset.done $0x0  }
.Ltmp3:
0x98: {  	[sflag:s5] =	ssyncadd.s32 $0xFFFFFF80;
	(pc) =	sbr.rel @p1 .LBB2_6-.Ltmp3, $4  }
0x99: {  	[spmem:s1] =	stream.indirect.scatter.add.f32 [tilespmem:s30], [sflag:$0x7], $0x80, s31, s28, $0xb8;
	[tilespmem:$0x1FA80] =	vst v63  }
0x9a: {  	_ =	swait.ge [sflag:s24], $0x4000  }
0x9b: {  	[sflag:s24] =	ssyncset.done $0x0  }
0x9c: {  	[sflag:s24] =	ssyncadd.s32 $0xFFFFC000  }
.Ltmp4:
0x9d: {  	(pc) =	sbr.rel .LBB2_4-.Ltmp4, $4  }
0x9e: {  	_ = 	snop  }
0x9f: {  	[tilespmem:s30], [sflag:$0x3] =	stream.linear.gather [hbm4b:s21+s2], $0x4000, $0x38;
	[tilespmem:$0x1FA80] =	vst v63  }
0xa0: {  	s11 =	sadd.s32 s8, s20;
	s8 =	sadd.s32 $0x30, s8;
	s21 =	sadd.s32 $0x1800, s21  }
0xa1: {  	[tilespmem:s31], [sflag:$0x6] =	stream.linear.gather [hbm4b:s11+s2], $0x80, $0x38;
	[tilespmem:$0x1FA80] =	vst v63  }
.LBB2_7:
0xa2: {  	_ =	sfence.sel $0x180000  }
0xa3: {  	[bflag:$0x0] =	sbarrier.arrive $0xFFFF  }
0xa4: {  	_ =	strace $0x9000004A  }
0xa5: {  	s0 =	stileid.u32;
	[bflag:$0x2] =	sbarrier.arrive $0xFFFF  }
0xa6: {  	p0 =	sne.s32 s0, $0x0;
	s0 =	rddreg [dreg:$0x3]  }
0xa7: {  	s0 =	sadd.s32 @!p0 $0x100000, s0  }
0xa8: {  	[sflag:s0] =	ssyncadd.tile.s32 @!p0 $0x1;
	_ =	shalt  }
.Lfunc_end2:
_tile_overlayer_lowered:
.L_overlay_start_2:
0xa9: {  	(tag) =	ssettag $0x2  }
0xaa: {  	s0 =	rddreg [dreg:$0x0];
	s2 =	stileid.u32  }
0xab: {  	s1 =	rddreg [dreg:$0x1];
	p0 =	sne.s32 s2, $0x0  }
0xac: {  	s3 =	rddreg [dreg:$0x2];
	[bflag:$0x3] =	sbarrier.arrive $0xFFFF;
	s2 =	simm.s32 @!p0 $0x1C07  }
0xad: {  	[timem:s3], [sflag:s2] =	dma.local @!p0 [hbm:s0], s1  }
0xae: {  	s0 =	simm.s32 @!p0 $0x7  }
0xaf: {  	_ =	swait.ge @!p0 [sflag:s0], s1  }
0xb0: {  	s1 =	ssub.s32 @!p0 $0x0, s1;
	[sflag:s0] =	ssyncset.done @!p0 $0x0  }
0xb1: {  	[sflag:s0] =	ssyncadd.s32 @!p0 s1  }
0xb2: {  	[bflag:$0x3] =	sbarrier.arrive $0xFFFF  }
0xb3: {  	_ =	shalt  }

// kernel: kernel.8.cloned.1.call-start
scs
__scs_entry_jumppad:
0x0: {  	(pc) =	sbr.rel $0x88, $3  }
0x1: {  	(tag) =	ssettag $0x0;
	lr =	simm.s32 $0x1  }
0x2: {  	[smem:$0x3F9B] =	sst lr;
	_ =	strace $0xD0000000  }
0x3: {  	_ = 	snop  }
0x4: {  	_ = 	snop  }
0x5: {  	_ = 	snop  }
0x6: {  	_ = 	snop  }
0x7: {  	_ = 	snop  }
__scs_overlays_trampoline_lowered:
0x8: {  	[smem:$0x3FAA] =	sst s0  }
0x9: {  	[smem:$0x3FAB] =	sst s1  }
0xa: {  	[smem:$0x3FAC] =	sst s2  }
0xb: {  	[smem:$0x3FAD] =	sst s3  }
0xc: {  	[smem:$0x3FAE] =	sst s4  }
0xd: {  	[smem:$0x3FAF] =	sst s5  }
0xe: {  	[smem:$0x3FB0] =	sst s6  }
0xf: {  	[smem:$0x3FB1] =	sst s7  }
0x10: {  	[smem:$0x3FB2] =	sst s8  }
0x11: {  	[smem:$0x3FB3] =	sst s9;
	s0 =	simm.s32 @!p0 $0x0  }
0x12: {  	s1 =	sld [smem:$0x3F99];
	s0 =	simm.s32 @p0 $0x1  }
0x13: {  	[smem:$0x3FB4] =	sst s0;
	s0 =	simm.s32 @!p1 $0x0  }
0x14: {  	s2 =	sld [smem:$0x3F98];
	s0 =	simm.s32 @p1 $0x1  }
0x15: {  	[smem:$0x3FB5] =	sst s0;
	s0 =	simm.s32 @!p2 $0x0  }
0x16: {  	s3 =	sld [smem:$0x3FDB];
	s0 =	simm.s32 @p2 $0x1  }
0x17: {  	s4 =	simm.s32 $0x1BF5;
	[smem:$0x3FB7] =	sst s0  }
0x18: {  	s0 =	sld [smem:$0x3F9A];
	_ =	swait.ge [sflag:s4], $0x0  }
0x19: {  	s7 =	sld [smem:$0x3F9B]  }
0x1a: {  	s8 =	sadd.s32 $0xFFFFE003, lr  }
0x1b: {  	s9 =	sadd.s32 $0xFFFFFEF7, lr;
	s5 =	simm.s32 $0xFFFFFFFF;
	p2 =	slt.u32 s8, $0xFFFFF086  }
0x1c: {  	p1 =	slt.u32 s9, $0xF7A;
	s5 =	simm.s32 @!p2 $0x0  }
0x1d: {  	s5 =	simm.s32 @p1 $0x1;
	p0 =	seq.s32 s7, s2  }
0x1e: {  	s7 =	smul.u32 @!p0 $0xF7A, s2;
	p2 =	seq.s32 @!p0 s5, $0x0  }
0x1f: {  	s9 =	smul.u32 $0xF7A, s1;
	s8 =	simm.s32 @!p0 $0x1BF5;
	p2 =	por !p2, p0  }
0x20: {  	[sflag:s8] =	ssyncset.s32 @!p0 $0xFFFFF086;
	s6 =	sadd.s32 @!p0 s3, s7;
	s7 =	simm.s32 @!p0 $0x108  }
0x21: {  	s3 =	sadd.s32 s3, s9;
	s6 =	sadd.s32 @!p0 $0x88, s6;
	s7 =	simm.s32 @p2 $0x1082  }
0x22: {  	[simem:s7], [sflag:s8] =	dma.local @!p0 [hbm:s6], $0xF7A  }
0x23: {  	s9 =	sor.u32 $0xD0000000, s2;
	s6 =	simm.s32 $0x108;
	_ =	swait.ge @!p0 [sflag:s8], $0x0  }
0x24: {  	s3 =	sadd.s32 $0x88, s3;
	s6 =	simm.s32 @!p1 $0x1082;
	[sflag:s4] =	ssyncset.s32 $0xFFFFF086  }
0x25: {  	[simem:s6], [sflag:s4] =	dma.local [hbm:s3], $0xF7A  }
0x26: {  	[smem:$0x3F9B] =	sst s1;
	(tag) =	ssettag s2;
	_ =	strace s9  }
0x27: {  	s1 =	sld [smem:$0x3FAB]  }
0x28: {  	s2 =	sld [smem:$0x3FAC]  }
0x29: {  	s4 =	sld [smem:$0x3FAE]  }
0x2a: {  	p0 =	seq.s32 s5, $0x0;
	s5 =	sld [smem:$0x3FAF]  }
0x2b: {  	s6 =	sld [smem:$0x3FB0]  }
0x2c: {  	s7 =	sld [smem:$0x3FB1]  }
0x2d: {  	s3 =	simm.s32 $0x108;
	s8 =	sld [smem:$0x3FB2]  }
0x2e: {  	s3 =	simm.s32 @!p0 $0x1082;
	s9 =	sld [smem:$0x3FB3]  }
0x2f: {  	lr =	sadd.s32 s0, s3;
	s0 =	sld [smem:$0x3FAA]  }
0x30: {  	s3 =	sld [smem:$0x3FAD]  }
0x31: {  	[smem:$0x3FB6] =	sst s10  }
0x32: {  	s10 =	sld [smem:$0x3FB4];
	_ =	sdelay $0x3  }
0x33: {  	p0 =	seq.s32 s10, $0x1;
	s10 =	sld [smem:$0x3FB6];
	_ =	sdelay $0x3  }
0x34: {  	[smem:$0x3FB6] =	sst s10  }
0x35: {  	s10 =	sld [smem:$0x3FB5];
	_ =	sdelay $0x3  }
0x36: {  	p1 =	seq.s32 s10, $0x1;
	s10 =	sld [smem:$0x3FB6];
	_ =	sdelay $0x3  }
0x37: {  	[smem:$0x3FB6] =	sst s10  }
0x38: {  	s10 =	sld [smem:$0x3FB7]  }
0x39: {  	_ = 	snop;
	(pc) =	sbr.ind lr, $3  }
0x3a: {  	_ = 	snop  }
0x3b: {  	_ = 	snop  }
0x3c: {  	p2 =	seq.s32 s10, $0x1;
	s10 =	sld [smem:$0x3FB6]  }
0x3d: {  	_ =	shalt  }
0x3e: {  	_ =	shalt  }
0x3f: {  	_ =	shalt  }
0x40: {  	_ =	shalt  }
0x41: {  	_ =	shalt  }
0x42: {  	_ =	shalt  }
0x43: {  	_ =	shalt  }
0x44: {  	_ =	shalt  }
0x45: {  	_ =	shalt  }
0x46: {  	_ =	shalt  }
0x47: {  	_ =	shalt  }
0x48: {  	_ =	shalt  }
0x49: {  	_ =	shalt  }
0x4a: {  	_ =	shalt  }
0x4b: {  	_ =	shalt  }
0x4c: {  	_ =	shalt  }
0x4d: {  	_ =	shalt  }
0x4e: {  	_ =	shalt  }
0x4f: {  	_ =	shalt  }
0x50: {  	_ =	shalt  }
0x51: {  	_ =	shalt  }
0x52: {  	_ =	shalt  }
0x53: {  	_ =	shalt  }
0x54: {  	_ =	shalt  }
0x55: {  	_ =	shalt  }
0x56: {  	_ =	shalt  }
0x57: {  	_ =	shalt  }
0x58: {  	_ =	shalt  }
0x59: {  	_ =	shalt  }
0x5a: {  	_ =	shalt  }
0x5b: {  	_ =	shalt  }
0x5c: {  	_ =	shalt  }
0x5d: {  	_ =	shalt  }
0x5e: {  	_ =	shalt  }
0x5f: {  	_ =	shalt  }
0x60: {  	_ =	shalt  }
0x61: {  	_ =	shalt  }
0x62: {  	_ =	shalt  }
0x63: {  	_ =	shalt  }
0x64: {  	_ =	shalt  }
0x65: {  	_ =	shalt  }
0x66: {  	_ =	shalt  }
0x67: {  	_ =	shalt  }
0x68: {  	_ =	shalt  }
0x69: {  	_ =	shalt  }
0x6a: {  	_ =	shalt  }
0x6b: {  	_ =	shalt  }
0x6c: {  	_ =	shalt  }
0x6d: {  	_ =	shalt  }
0x6e: {  	_ =	shalt  }
0x6f: {  	_ =	shalt  }
0x70: {  	_ =	shalt  }
0x71: {  	_ =	shalt  }
0x72: {  	_ =	shalt  }
0x73: {  	_ =	shalt  }
0x74: {  	_ =	shalt  }
0x75: {  	_ =	shalt  }
0x76: {  	_ =	shalt  }
0x77: {  	_ =	shalt  }
0x78: {  	_ =	shalt  }
0x79: {  	_ =	shalt  }
0x7a: {  	_ =	shalt  }
0x7b: {  	_ =	shalt  }
0x7c: {  	_ =	shalt  }
0x7d: {  	_ =	shalt  }
0x7e: {  	_ =	shalt  }
0x7f: {  	_ =	shalt  }
0x80: {  	_ =	shalt  }
0x81: {  	_ =	shalt  }
0x82: {  	_ =	shalt  }
0x83: {  	_ =	shalt  }
0x84: {  	_ =	shalt  }
0x85: {  	_ =	shalt  }
0x86: {  	_ =	shalt  }
0x87: {  	_ =	shalt  }
.Lfunc_end0:
.L_simem_size_0:
called_computation_lowered:
.L_overlay_start_0:
0x88: {  	s2 =	sld [smem:$0x3FD9]  }
0x89: {  	s3 =	sld [smem:$0x3FFE];
	_ =	sdelay $0x1  }
0x8a: {  	s1 =	srdreg.scid  }
0x8b: {  	s0 =	sand.u32 $0x1, s1  }
0x8c: {  	s17 =	sshll.u32 s0, $0xA;
	s2 =	sadd.s32 s3, s2  }
0x8d: {  	s2 =	sadd.s32 s2, s17  }
0x8e: {  	[smem:$0x3FC2] =	sst s2  }
0x8f: {  	_ = 	snop  }
0x90: {  	s2 =	sld [smem:$0x3FC8];
	(tm) =	ssettm $0x1  }
0x91: {  	s18 =	sld [smem:$0x3FFB];
	_ =	sdelay $0x3  }
0x92: {  	_ =	strace s18  }
0x93: {  	s3 =	sld [smem:$0x3FFC];
	_ =	sdelay $0x3  }
0x94: {  	_ =	strace s3  }
0x95: {  	s3 =	sld [smem:$0x3FFD];
	_ =	sdelay $0x3  }
0x96: {  	_ =	strace s3  }
0x97: {  	_ =	strace $0x8FFFFFFF  }
0x98: {  	s19 =	sld [smem:$0x3FDB];
	_ =	sdelay $0x1  }
0x99: {  	s4 =	simm.s32 $_scs_section_size  }
0x9a: {  	s5 =	simm.s32 $_size__tile_overlayer_lowered;
	s6 =	simm.s32 $_tile_overlayer_lowered  }
0x9b: {  	s22 =	simm.s32 $0x1BFF;
	s21 =	sshll.u32 s6, $0x1;
	s3 =	sadd.s32 s4, s19  }
0x9c: {  	s7 =	simm.s32 $0x0;
	s20 =	sshll.u32 s5, $0x1;
	s5 =	sadd.s32 s21, s3  }
0x9d: {  	[timem:s7], [sflag:s22] =	dma.local [hbm:s5], s20  }
0x9e: {  	_ =	swait.ge [sflag:s22], s20  }
0x9f: {  	s4 =	ssub.s32 $0x0, s20;
	[sflag:s22] =	ssyncset.done $0x0  }
0xa0: {  	[sflag:s22] =	ssyncadd.s32 s4;
	_ =	sdelay $0x1  }
0xa1: {  	s23 =	simm.s32 $0x1B8B  }
0xa2: {  	_ =	swait.ge [sflag:s23], $0x1  }
0xa3: {  	[sflag:s23] =	ssyncset.done $0x0  }
0xa4: {  	s25 =	simm.s32 $0x1B8E;
	s24 =	sld [smem:$0x3FFE];
	[sflag:s23] =	ssyncadd.s32 $0xFFFFFFFF  }
0xa5: {  	s26 =	simm.s32 $execute0_lowered;
	[smem:$0x3FD2] =	sst s25  }
0xa6: {  	s5 =	sshll.u32 s26, $0x1;
	_ =	strace $0x80000046;
	[dreg:$0x1] =	wrdreg $0xFFFFFFFF  }
0xa7: {  	s28 =	simm.s32 $_size_execute0_lowered;
	s3 =	sadd.s32 s3, s5;
	[dreg:$0x0] =	wrdreg $0x0  }
0xa8: {  	s5 =	sshll.u32 s28, $0x1;
	[dreg:$0x2] =	wrdreg s3  }
0xa9: {  	[dreg:$0x3] =	wrdreg s5  }
0xaa: {  	[dreg:$0x4] =	wrdreg $0xC0  }
0xab: {  	_ =	task [dreg:s7], $0x5FFFF  }
0xac: {  	[dreg:$0x1] =	wrdreg $0xFFFFFFFF  }
0xad: {  	[dreg:$0x0] =	wrdreg $0x60  }
0xae: {  	[dreg:$0x2] =	wrdreg s24  }
0xaf: {  	[dreg:$0x3] =	wrdreg s2  }
0xb0: {  	[dreg:$0x4] =	wrdreg $0xC2000  }
0xb1: {  	[dreg:$0x5] =	wrdreg $0x9  }
0xb2: {  	_ =	task.clear_ibuf [dreg:s7], $0x6FFFF;
	_ =	strace $0x90000046  }
0xb3: {  	s29 =	simm.s32 $0x9;
	_ =	strace $0x80000048  }
0xb4: {  	_ =	swait.ge [sflag:s29], $0x1  }
0xb5: {  	[sflag:s29] =	ssyncadd.s32 $0xFFFFFFFF  }
0xb6: {  	_ =	strace $0x90000048  }
0xb7: {  	_ =	sfence  }
0xb8: {  	s30 =	sld [smem:$0x0];
	_ =	sdelay $0x2  }
0xb9: {  	s31 =	sshll.u32 s1, $0xD;
	s1 =	sshrl.u32 s1, $0x2  }
0xba: {  	s3 =	sand.u32 $0x4000, s31;
	s1 =	sadd.s32 s1, s30  }
0xbb: {  	s0 =	sor.u32 s3, s0;
	s1 =	sshll.u32 s1, $0x11  }
0xbc: {  	s0 =	sor.u32 s1, s0  }
0xbd: {  	s0 =	sadd.s32 $0x8F2B, s0  }
0xbe: {  	[sflag:s0] =	ssyncadd.remote.s32 $0x1  }
0xbf: {  	_ =	sfence.sel $0xFFFF  }
0xc0: {  	[dreg:$0x0] =	wrdreg $0xFFFFFFFF;
	(pc) =	sbr.abs _section_cstart, $3  }
0xc1: {  	[dreg:$0x1] =	wrdreg $0xFFFFFFFF  }
0xc2: {  	_ =	task.clear_ibuf [dreg:s7], $0x2FFFF;
	_ =	strace $0x9FFFFFFF  }
0xc3: {  	(tm) =	ssettm $0x7FFFFFFF  }
tec
execute0_lowered:
.L_overlay_start_1:
0x0: {  	(tag) =	ssettag $0x1  }
0x1: {  	s0 =	rddreg [dreg:$0x0]  }
0x2: {  	s1 =	rddreg [dreg:$0x1]  }
0x3: {  	s2 =	rddreg [dreg:$0x2]  }
0x4: {  	s3 =	simm.s32 $0x0;
	s4 =	srdreg.scid;
	s15 =	stileid.u32  }
0x5: {  	s28 =	simm.s32 $0xC000;
	s31 =	simm.s32 $0x8000;
	s29 =	simm.s32 $0x4  }
0x6: {  	s30 =	simm.s32 $0x80;
	[smem:$0x7FF] =	sst s3;
	s7 =	smul.u32 $0x4E000, s15  }
0x7: {  	s4 =	sand.u32 $0x1, s4;
	s6 =	sadd.s32 $0x1000, s0;
	s14 =	smul.u32 $0x1388, s15  }
0x8: {  	s10 =	sadd.s32 $0x138000, s2;
	p0 =	sne.s32 s15, $0xF;
	s5 =	smul.u32 $0x27100, s4  }
0x9: {  	_ =	strace $0x80000047;
	s16 =	ssub.s32 $0x2, s4;
	s13 =	smul.u32 $0x13880, s4  }
0xa: {  	s8 =	sshll.u32 s4, $0x4;
	s4 =	smul.u32 $0x138800, s4;
	s7 =	sshrl.u32 s7, $0x2  }
0xb: {  	s9 =	sshrl.u32 s16, $0x1;
	s0 =	sadd.s32 s5, s0;
	s5 =	sadd.s32 s7, s2  }
0xc: {  	s8 =	sor.u32 s15, s8;
	s9 =	ssub.s32 s16, s9;
	s7 =	sadd.s32 $0x4000, s5  }
0xd: {  	s11 =	smul.u32 $0x1388, s8;
	s17 =	sadd.s32 $0x8000, s5;
	[dreg:$0x4] =	wrdreg s7  }
0xe: {  	s18 =	smul.u32 $0x13880, s8;
	s19 =	sadd.s32 $0xC000, s5;
	[dreg:$0x5] =	wrdreg s17  }
0xf: {  	s4 =	sadd.s32 s4, s6;
	s20 =	sadd.s32 $0x10000, s5;
	[dreg:$0x6] =	wrdreg s19  }
0x10: {  	s16 =	sadd.s32 $0x272000, s0;
	s0 =	simm.s32 $0xC100;
	[dreg:$0x7] =	wrdreg s20  }
0x11: {  	s7 =	sadd.s32 s6, s18;
	s21 =	sshrl.u32 s11, $0x3;
	s22 =	sadd.s32 $0x80, s11  }
0x12: {  	s12 =	sadd.s32 $0x100, s11;
	s17 =	smul.u32 $0x13880, s15;
	s18 =	sadd.s32 s14, s13  }
0x13: {  	s19 =	smul.u32 $0x2700, s15;
	[dreg:$0x8] =	wrdreg s7;
	s7 =	sadd.s32 s1, s21  }
0x14: {  	s23 =	sshll.u32 s22, $0x4;
	s24 =	sshrl.u32 s22, $0x3;
	s25 =	sshll.u32 s12, $0x4  }
0x15: {  	s8 =	sshrl.u32 s12, $0x3;
	s12 =	sadd.s32 $0x1380, s11;
	s22 =	sadd.s32 $0x280, s18  }
0x16: {  	s21 =	smov.u32 s16;
	[dreg:$0x9] =	wrdreg s7;
	s7 =	sadd.s32 s6, s23  }
0x17: {  	s26 =	sadd.s32 s6, s25;
	s11 =	sshll.u32 s12, $0x4;
	s20 =	sadd.s32 s17, s4  }
0x18: {  	s23 =	sshrl.u32 s22, $0x3;
	s25 =	smax.u32 s9, $0x1;
	s4 =	simm.s32 $0x1  }
0x19: {  	s9 =	simm.s32 $0x0;
	[dreg:$0xa] =	wrdreg s7;
	s7 =	sadd.s32 s1, s24  }
0x1a: {  	[dreg:$0xc] =	wrdreg s26;
	s11 =	sadd.s32 s6, s11;
	s24 =	sadd.s32 $0x200, s18  }
0x1b: {  	[dreg:$0x10] =	wrdreg s25;
	s14 =	sadd.s32 s23, s1;
	s25 =	sadd.s32 s19, s16  }
.Ltmp0:
0x1c: {  	s6 =	simm.s32 $0x3;
	[dreg:$0xb] =	wrdreg s7;
	(pc) =	sbr.rel .LBB2_1-.Ltmp0, $4  }
0x1d: {  	s7 =	sadd.s32 s1, s8;
	[dreg:$0xe] =	wrdreg s11;
	s26 =	sshrl.u32 s24, $0x3  }
0x1e: {  	s8 =	simm.s32 $0xC180;
	[dreg:$0xd] =	wrdreg s7;
	s7 =	sshrl.u32 s12, $0x3  }
0x1f: {  	s13 =	sadd.s32 s26, s1;
	s12 =	sadd.s32 $0x180, s18;
	s7 =	sadd.s32 s1, s7  }
0x20: {  	v0 =	vimm.f32 $0.0e+00;
	s26 =	simm.s32 $0x7;
	[dreg:$0xf] =	wrdreg s7;
	s7 =	simm.s32 $0x6  }
.LBB2_6:
0x21: {  	s11 =	rddreg [dreg:$0xe]  }
0x22: {  	[tilespmem:s3], [sflag:$0x7] =	stream.linear.gather [hbm4b:s11+s3], $0x400, $0x38;
	[tilespmem:$0x1FA80] =	vst v63  }
0x23: {  	_ =	swait.ge [sflag:s26], $0x400  }
0x24: {  	[sflag:s26] =	ssyncset.done $0x0  }
0x25: {  	s19 =	rddreg [dreg:$0xf];
	[sflag:s26] =	ssyncadd.s32 $0xFFFFFC00  }
0x26: {  	[tilespmem:s8], [sflag:$0x7] =	stream.linear.gather [hbm4b:s19+s3], $0x8, $0x38;
	[tilespmem:$0x1FA80] =	vst v63  }
0x27: {  	_ =	swait.ge [sflag:s26], $0x8  }
0x28: {  	[sflag:s26] =	ssyncset.done $0x0  }
0x29: {  	s22 =	simm.s32 $0x8;
	[sflag:s26] =	ssyncadd.s32 $0xFFFFFFF8  }
0x2a: {  	[spmem:s2] =	stream.indirect.scatter.add.f32 [tilespmem:s3], [sflag:$0x7], $0x80, s8, s22, $0xb8;
	[tilespmem:$0x1FA80] =	vst v63  }
0x2b: {  	_ =	swait.ge [sflag:s26], $0x400  }
0x2c: {  	s23 =	stileid.u32;
	[sflag:s26] =	ssyncset.done $0x0  }
0x2d: {  	s11 =	sshll.u32 s23, $0x6;
	[sflag:s26] =	ssyncadd.s32 $0xFFFFFC00  }
0x2e: {  	s15 =	sshrl.u32 s5, $0x3;
	s11 =	sor.u32 $0x1C07, s11;
	[bflag:$0x0] =	sbarrier.arrive $0xFFFF  }
0x2f: {  	[hbm:s25], [sflag:s11] =	dma.local [spmem:s15], $0x2700  }
0x30: {  	_ =	swait.ge [sflag:s26], $0x2700  }
0x31: {  	[sflag:s26] =	ssyncset.done $0x0  }
0x32: {  	s16 =	sshrl.u32 @!p0 s10, $0x3;
	s15 =	sadd.s32 @!p0 $0x27000, s21;
	[sflag:s26] =	ssyncadd.s32 $0xFFFFD900  }
0x33: {  	[hbm:s15], [sflag:s11] =	dma.local @!p0 [spmem:s16], $0x100  }
0x34: {  	s11 =	simm.s32 @!p0 $0x7  }
0x35: {  	_ =	swait.ge @!p0 [sflag:s11], $0x100  }
0x36: {  	s9 =	sadd.s32 $0x1, s9;
	s24 =	rddreg [dreg:$0x10]  }
0x37: {  	p1 =	sne.s32 s9, s24  }
.Ltmp1:
0x38: {  	_ = 	snop;
	(pc) =	sbr.rel @!p1 .LBB2_7-.Ltmp1, $3  }
0x39: {  	_ =	sdelay $0x1  }
0x3a: {  	[sflag:s11] =	ssyncset.done @!p0 $0x0  }
0x3b: {  	[sflag:s11] =	ssyncadd.s32 @!p0 $0xFFFFFF00  }
.LBB2_1:
0x3c: {  	s11 =	simm.s32 $0x0;
	s22 =	simm.s32 $0x200  }
.LBB2_2:
0x3d: {  	p1 =	sne.s32 s22, $0xFE00;
	[tilespmem:s11+$0x70] =	vst v0  }
0x3e: {  	[tilespmem:s11+$0x0] =	vst v0  }
0x3f: {  	[tilespmem:s11+$0x10] =	vst v0  }
.Ltmp2:
0x40: {  	[tilespmem:s11+$0x20] =	vst v0;
	(pc) =	sbr.rel @p1 .LBB2_2-.Ltmp2, $4  }
0x41: {  	[tilespmem:s11+$0x30] =	vst v0  }
0x42: {  	[tilespmem:s11+$0x40] =	vst v0  }
0x43: {  	[tilespmem:s11+$0x50] =	vst v0  }
0x44: {  	[tilespmem:s11+$0x60] =	vst v0;
	s11 =	sshra.s32 s22, $0x2;
	s22 =	sadd.s32 $0x200, s22  }
0x45: {  	[tilespmem:s11+$0x70] =	vst v0  }
0x46: {  	[tilespmem:s11+$0x0] =	vst v0  }
0x47: {  	[tilespmem:s11+$0x10] =	vst v0  }
0x48: {  	[tilespmem:s11+$0x20] =	vst v0  }
0x49: {  	[tilespmem:s11+$0x30] =	vst v0  }
0x4a: {  	[tilespmem:s11+$0x40] =	vst v0  }
0x4b: {  	[tilespmem:s11+$0x50] =	vst v0  }
0x4c: {  	[tilespmem:s11+$0x60] =	vst v0  }
0x4d: {  	[spmem:s5] =	stream.linear.scatter [tilespmem:s3], [sflag:$0x7], $0x4000, $0x38;
	[tilespmem:$0x1FA80] =	vst v63  }
0x4e: {  	_ =	swait.ge [sflag:s26], $0x4000  }
0x4f: {  	[sflag:s26] =	ssyncset.done $0x0  }
0x50: {  	s23 =	rddreg [dreg:$0x4];
	[sflag:s26] =	ssyncadd.s32 $0xFFFFC000  }
0x51: {  	[spmem:s23] =	stream.linear.scatter [tilespmem:s3], [sflag:$0x7], $0x4000, $0x38;
	[tilespmem:$0x1FA80] =	vst v63  }
0x52: {  	_ =	swait.ge [sflag:s26], $0x4000  }
0x53: {  	[sflag:s26] =	ssyncset.done $0x0  }
0x54: {  	s24 =	rddreg [dreg:$0x5];
	[sflag:s26] =	ssyncadd.s32 $0xFFFFC000  }
0x55: {  	[spmem:s24] =	stream.linear.scatter [tilespmem:s3], [sflag:$0x7], $0x4000, $0x38;
	[tilespmem:$0x1FA80] =	vst v63  }
0x56: {  	_ =	swait.ge [sflag:s26], $0x4000  }
0x57: {  	[sflag:s26] =	ssyncset.done $0x0  }
0x58: {  	s15 =	rddreg [dreg:$0x6];
	[sflag:s26] =	ssyncadd.s32 $0xFFFFC000  }
0x59: {  	[spmem:s15] =	stream.linear.scatter [tilespmem:s3], [sflag:$0x7], $0x4000, $0x38;
	[tilespmem:$0x1FA80] =	vst v63  }
0x5a: {  	_ =	swait.ge [sflag:s26], $0x4000  }
0x5b: {  	[sflag:s26] =	ssyncset.done $0x0  }
0x5c: {  	s16 =	rddreg [dreg:$0x7];
	[sflag:s26] =	ssyncadd.s32 $0xFFFFC000  }
0x5d: {  	[spmem:s16] =	stream.linear.scatter [tilespmem:s3], [sflag:$0x7], $0x3800, $0x38;
	[tilespmem:$0x1FA80] =	vst v63  }
0x5e: {  	_ =	swait.ge [sflag:s26], $0x3800  }
0x5f: {  	[sflag:s26] =	ssyncset.done $0x0  }
0x60: {  	s11 =	simm.s32 @!p0 $0x0;
	[sflag:s26] =	ssyncadd.s32 $0xFFFFC800  }
0x61: {  	[spmem:s10] =	stream.linear.scatter @!p0 [tilespmem:s11], [sflag:$0x7], $0x800, $0x38;
	[tilespmem:$0x1FA80] =	vst v63  }
0x62: {  	s11 =	simm.s32 @!p0 $0x7  }
0x63: {  	_ =	swait.ge @!p0 [sflag:s11], $0x800  }
0x64: {  	[sflag:s11] =	ssyncset.done @!p0 $0x0  }
0x65: {  	[sflag:s11] =	ssyncadd.s32 @!p0 $0xFFFFF800  }
0x66: {  	[bflag:$0x0] =	sbarrier.arrive $0xFFFF  }
0x67: {  	s11 =	simm.s32 $0x0;
	s15 =	rddreg [dreg:$0x8]  }
0x68: {  	[tilespmem:s11], [sflag:$0x1] =	stream.linear.gather [hbm4b:s15+s11], $0x4000, $0x38;
	[tilespmem:$0x1FA80] =	vst v63  }
0x69: {  	s17 =	rddreg [dreg:$0x9]  }
0x6a: {  	[tilespmem:s28], [sflag:$0x4] =	stream.linear.gather [hbm4b:s17+s11], $0x80, $0x38;
	[tilespmem:$0x1FA80] =	vst v63  }
0x6b: {  	s16 =	simm.s32 $0x4000;
	s18 =	rddreg [dreg:$0xa]  }
0x6c: {  	[tilespmem:s16], [sflag:$0x2] =	stream.linear.gather [hbm4b:s18+s11], $0x4000, $0x38;
	[tilespmem:$0x1FA80] =	vst v63  }
0x6d: {  	s22 =	simm.s32 $0xC080;
	s19 =	rddreg [dreg:$0xb]  }
0x6e: {  	[tilespmem:s22], [sflag:$0x5] =	stream.linear.gather [hbm4b:s19+s11], $0x80, $0x38;
	[tilespmem:$0x1FA80] =	vst v63  }
0x6f: {  	s23 =	rddreg [dreg:$0xc]  }
0x70: {  	[tilespmem:s31], [sflag:$0x3] =	stream.linear.gather [hbm4b:s23+s11], $0x4000, $0x38;
	[tilespmem:$0x1FA80] =	vst v63  }
0x71: {  	s24 =	rddreg [dreg:$0xd]  }
0x72: {  	[tilespmem:s0], [sflag:$0x6] =	stream.linear.gather [hbm4b:s24+s11], $0x80, $0x38;
	[tilespmem:$0x1FA80] =	vst v63  }
0x73: {  	s22 =	smov.u32 s14;
	s23 =	smov.u32 s13;
	s24 =	smov.u32 s12  }
.LBB2_4:
0x74: {  	_ =	swait.ge [sflag:s4], $0x4000  }
0x75: {  	[sflag:s4] =	ssyncset.done $0x0  }
0x76: {  	[sflag:s4] =	ssyncadd.s32 $0xFFFFC000  }
0x77: {  	_ =	swait.ge [sflag:s29], $0x80  }
0x78: {  	[sflag:s29] =	ssyncset.done $0x0  }
0x79: {  	[sflag:s29] =	ssyncadd.s32 $0xFFFFFF80  }
0x7a: {  	[spmem:s2] =	stream.indirect.scatter.add.f32 [tilespmem:s3], [sflag:$0x7], $0x80, s28, s30, $0xb8;
	[tilespmem:$0x1FA80] =	vst v63  }
0x7b: {  	_ =	swait.ge [sflag:s26], $0x4000  }
0x7c: {  	p1 =	seq.s32 s11, $0x12000;
	[sflag:s26] =	ssyncset.done $0x0  }
0x7d: {  	s15 =	simm.s32 @p1 $0x2;
	[sflag:s26] =	ssyncadd.s32 $0xFFFFC000  }
0x7e: {  	_ =	swait.ge @p1 [sflag:s15], $0x4000  }
0x7f: {  	[sflag:s15] =	ssyncset.done @p1 $0x0  }
0x80: {  	[sflag:s15] =	ssyncadd.s32 @p1 $0xFFFFC000;
	s15 =	simm.s32 @p1 $0x5  }
0x81: {  	_ =	swait.ge @p1 [sflag:s15], $0x80  }
0x82: {  	s16 =	simm.s32 @p1 $0xC080;
	[sflag:s15] =	ssyncset.done @p1 $0x0  }
0x83: {  	s17 =	simm.s32 @p1 $0x4000;
	[sflag:s15] =	ssyncadd.s32 @p1 $0xFFFFFF80;
	s15 =	simm.s32 @p1 $0x80  }
0x84: {  	[spmem:s2] =	stream.indirect.scatter.add.f32 @p1 [tilespmem:s17], [sflag:$0x7], $0x80, s16, s15, $0xb8;
	[tilespmem:$0x1FA80] =	vst v63  }
0x85: {  	s15 =	simm.s32 @p1 $0x7  }
0x86: {  	_ =	swait.ge @p1 [sflag:s15], $0x4000  }
0x87: {  	s16 =	sadd.s32 @!p1 s11, s20;
	[sflag:s15] =	ssyncset.done @p1 $0x0  }
0x88: {  	s17 =	simm.s32 @!p1 $0x0;
	[sflag:s15] =	ssyncadd.s32 @p1 $0xFFFFC000;
	s15 =	sadd.s32 @!p1 $0x1800, s16  }
0x89: {  	[tilespmem:s17], [sflag:$0x1] =	stream.linear.gather @!p1 [hbm4b:s15+s17], $0x4000, $0x38;
	[tilespmem:$0x1FA80] =	vst v63  }
0x8a: {  	s15 =	sshrl.u32 @!p1 s24, $0x3  }
0x8b: {  	s18 =	simm.s32 @!p1 $0xC000;
	s15 =	sadd.s32 @!p1 s1, s15  }
0x8c: {  	[tilespmem:s18], [sflag:$0x4] =	stream.linear.gather @!p1 [hbm4b:s15+s17], $0x80, $0x38;
	[tilespmem:$0x1FA80] =	vst v63  }
0x8d: {  	s15 =	simm.s32 @!p1 $0x2  }
0x8e: {  	_ =	swait.ge @!p1 [sflag:s15], $0x4000  }
0x8f: {  	[sflag:s15] =	ssyncset.done @!p1 $0x0  }
0x90: {  	[sflag:s15] =	ssyncadd.s32 @!p1 $0xFFFFC000;
	s15 =	simm.s32 @!p1 $0x5  }
0x91: {  	_ =	swait.ge @!p1 [sflag:s15], $0x80  }
0x92: {  	s19 =	simm.s32 @!p1 $0x4000;
	[sflag:s15] =	ssyncset.done @!p1 $0x0  }
0x93: {  	s18 =	simm.s32 @!p1 $0xC080;
	[sflag:s15] =	ssyncadd.s32 @!p1 $0xFFFFFF80;
	s15 =	simm.s32 @!p1 $0x80  }
0x94: {  	[spmem:s2] =	stream.indirect.scatter.add.f32 @!p1 [tilespmem:s19], [sflag:$0x7], $0x80, s18, s15, $0xb8;
	[tilespmem:$0x1FA80] =	vst v63  }
0x95: {  	s15 =	simm.s32 @!p1 $0x7  }
0x96: {  	_ =	swait.ge @!p1 [sflag:s15], $0x4000  }
0x97: {  	[sflag:s15] =	ssyncset.done @!p1 $0x0  }
0x98: {  	[sflag:s15] =	ssyncadd.s32 @!p1 $0xFFFFC000;
	s15 =	sadd.s32 @!p1 $0x2000, s16  }
0x99: {  	[tilespmem:s19], [sflag:$0x2] =	stream.linear.gather @!p1 [hbm4b:s15+s17], $0x4000, $0x38;
	[tilespmem:$0x1FA80] =	vst v63  }
0x9a: {  	_ = 	snop  }
0x9b: {  	[tilespmem:s18], [sflag:$0x5] =	stream.linear.gather @!p1 [hbm4b:s23+s17], $0x80, $0x38;
	[tilespmem:$0x1FA80] =	vst v63  }
0x9c: {  	_ =	swait.ge [sflag:s6], $0x4000  }
0x9d: {  	[sflag:s6] =	ssyncset.done $0x0  }
0x9e: {  	[sflag:s6] =	ssyncadd.s32 $0xFFFFC000  }
0x9f: {  	_ =	swait.ge [sflag:s7], $0x80  }
0xa0: {  	[sflag:s7] =	ssyncset.done $0x0  }
.Ltmp3:
0xa1: {  	[sflag:s7] =	ssyncadd.s32 $0xFFFFFF80;
	(pc) =	sbr.rel @p1 .LBB2_6-.Ltmp3, $4  }
0xa2: {  	[spmem:s2] =	stream.indirect.scatter.add.f32 [tilespmem:s31], [sflag:$0x7], $0x80, s0, s30, $0xb8;
	[tilespmem:$0x1FA80] =	vst v63  }
0xa3: {  	_ =	swait.ge [sflag:s26], $0x4000  }
0xa4: {  	[sflag:s26] =	ssyncset.done $0x0  }
0xa5: {  	[sflag:s26] =	ssyncadd.s32 $0xFFFFC000  }
0xa6: {  	s15 =	sadd.s32 s11, s20  }
.Ltmp4:
0xa7: {  	s15 =	sadd.s32 $0x2800, s15;
	(pc) =	sbr.rel .LBB2_4-.Ltmp4, $4  }
0xa8: {  	[tilespmem:s31], [sflag:$0x3] =	stream.linear.gather [hbm4b:s15+s3], $0x4000, $0x38;
	[tilespmem:$0x1FA80] =	vst v63  }
0xa9: {  	s11 =	sadd.s32 $0x1800, s11  }
0xaa: {  	[tilespmem:s0], [sflag:$0x6] =	stream.linear.gather [hbm4b:s22+s3], $0x80, $0x38;
	[tilespmem:$0x1FA80] =	vst v63  }
0xab: {  	s23 =	sadd.s32 $0x30, s23;
	s24 =	sadd.s32 $0x180, s24;
	s22 =	sadd.s32 $0x30, s22  }
.LBB2_7:
0xac: {  	_ =	sfence.sel $0x180000  }
0xad: {  	[bflag:$0x0] =	sbarrier.arrive $0xFFFF  }
0xae: {  	_ =	strace $0x90000047  }
0xaf: {  	s0 =	stileid.u32;
	[bflag:$0x2] =	sbarrier.arrive $0xFFFF  }
0xb0: {  	p0 =	sne.s32 s0, $0x0;
	s0 =	rddreg [dreg:$0x3]  }
0xb1: {  	s0 =	sadd.s32 @!p0 $0x100000, s0  }
0xb2: {  	[sflag:s0] =	ssyncadd.tile.s32 @!p0 $0x1;
	_ =	shalt  }
.Lfunc_end2:
_tile_overlayer_lowered:
.L_overlay_start_2:
0xb3: {  	(tag) =	ssettag $0x2  }
0xb4: {  	s0 =	rddreg [dreg:$0x0];
	s2 =	stileid.u32  }
0xb5: {  	s1 =	rddreg [dreg:$0x1];
	p0 =	sne.s32 s2, $0x0  }
0xb6: {  	s3 =	rddreg [dreg:$0x2];
	[bflag:$0x3] =	sbarrier.arrive $0xFFFF;
	s2 =	simm.s32 @!p0 $0x1C07  }
0xb7: {  	[timem:s3], [sflag:s2] =	dma.local @!p0 [hbm:s0], s1  }
0xb8: {  	s0 =	simm.s32 @!p0 $0x7  }
0xb9: {  	_ =	swait.ge @!p0 [sflag:s0], s1  }
0xba: {  	s1 =	ssub.s32 @!p0 $0x0, s1;
	[sflag:s0] =	ssyncset.done @!p0 $0x0  }
0xbb: {  	[sflag:s0] =	ssyncadd.s32 @!p0 s1  }
0xbc: {  	[bflag:$0x3] =	sbarrier.arrive $0xFFFF  }
0xbd: {  	_ =	shalt  }

</sc_bundles>
